<compile_context>
chip_gen: v7x
topology: tpu7x:2x2x1
jax: 0.10.2.dev20260603
libtpu: 0.0.44.dev20260713+nightly
codegen_flags: <defaults>
</compile_context>

<pallas_src>
import functools

import jax
import jax.numpy as jnp
from jax import lax
from jax.experimental import pallas as pl
from jax.experimental.pallas import tpu as pltpu
from jax.experimental.pallas import tpu_sc as plsc

N_NODES = 10000
N_EDGES = 320000
N_FEAT = 128
N_CLASS = 64

N_PAD = 10240
NW = 32
CW = 128
NCHUNK = 79
EPT = NCHUNK * CW
E_PAD = NW * EPT
RPT = N_PAD // 16

_mesh = plsc.VectorSubcoreMesh(core_axis_name="c", subcore_axis_name="s")


def _agg_body(g_hbm, src_hbm, dst_hbm, out_hbm, src_v, dst_v, rows_v, acc_sh):
    cid = lax.axis_index("c")
    sid = lax.axis_index("s")
    tid = cid * 16 + sid
    pltpu.sync_copy(src_hbm.at[tid], src_v)
    pltpu.sync_copy(dst_hbm.at[tid], dst_v)

    def zrow(r, carry):
        for k in range(N_FEAT // 16):
            rows_v[r, pl.ds(k * 16, 16)] = jnp.zeros((16,), jnp.float32)
        return carry

    lax.fori_loop(0, CW, zrow, 0)
    for k in range(RPT // CW):
        pltpu.sync_copy(rows_v, acc_sh.at[pl.ds(sid * RPT + k * CW, CW)])
    plsc.subcore_barrier()

    def step(j, carry):
        pltpu.sync_copy(g_hbm.at[src_v.at[j]], rows_v)
        pltpu.sync_copy(rows_v, acc_sh.at[dst_v.at[j]], add=True)
        return carry

    lax.fori_loop(0, NCHUNK, step, 0)
    plsc.subcore_barrier()
    pltpu.sync_copy(acc_sh.at[pl.ds(sid * RPT, RPT)],
                    out_hbm.at[cid, pl.ds(sid * RPT, RPT)])


_edge_agg = pl.kernel(
    _agg_body,
    out_type=jax.ShapeDtypeStruct((2, N_PAD, N_FEAT), jnp.float32),
    mesh=_mesh,
    scratch_types=[
        pltpu.VMEM((NCHUNK, CW), jnp.int32),
        pltpu.VMEM((NCHUNK, CW), jnp.int32),
        pltpu.VMEM((CW, N_FEAT), jnp.float32),
        pltpu.VMEM_SHARED((N_PAD, N_FEAT), jnp.float32),
    ],
)


def _deg_body(dst_hbm, out_hbm, dst_v, ones_v, zero_v, deg_sh):
    cid = lax.axis_index("c")
    sid = lax.axis_index("s")
    tid = cid * 16 + sid
    pltpu.sync_copy(dst_hbm.at[tid], dst_v)

    def fill(r, carry):
        ones_v[pl.ds(r * 16, 16)] = jnp.ones((16,), jnp.float32)
        zero_v[pl.ds(r * 16, 16)] = jnp.zeros((16,), jnp.float32)
        return carry

    lax.fori_loop(0, CW // 16, fill, 0)

    def zfill(r, carry):
        zero_v[pl.ds(r * 16, 16)] = jnp.zeros((16,), jnp.float32)
        return carry

    lax.fori_loop(CW // 16, RPT // 16, zfill, 0)
    pltpu.sync_copy(zero_v, deg_sh.at[pl.ds(sid * RPT, RPT)])
    plsc.subcore_barrier()

    def step(j, carry):
        pltpu.sync_copy(ones_v, deg_sh.at[dst_v.at[j]], add=True)
        return carry

    lax.fori_loop(0, NCHUNK, step, 0)
    plsc.subcore_barrier()
    pltpu.sync_copy(deg_sh.at[pl.ds(sid * RPT, RPT)],
                    out_hbm.at[cid, pl.ds(sid * RPT, RPT)])


_deg_count = pl.kernel(
    _deg_body,
    out_type=jax.ShapeDtypeStruct((2, N_PAD), jnp.float32),
    mesh=_mesh,
    scratch_types=[
        pltpu.VMEM((NCHUNK, CW), jnp.int32),
        pltpu.VMEM((CW,), jnp.float32),
        pltpu.VMEM((RPT,), jnp.float32),
        pltpu.VMEM_SHARED((N_PAD,), jnp.float32),
    ],
)

_BR = 2000


def _b1_body(x_ref, w_ref, degp_ref, g_ref, dinv_ref):
    deg = degp_ref[0] + degp_ref[1] + 1.0
    dinv = lax.rsqrt(deg)
    dinv_ref[...] = dinv
    g_ref[...] = jnp.dot(x_ref[...], w_ref[...],
                         preferred_element_type=jnp.float32) * dinv


_b1 = pl.pallas_call(
    _b1_body,
    grid=(N_NODES // _BR,),
    in_specs=[
        pl.BlockSpec((_BR, N_FEAT), lambda i: (i, 0)),
        pl.BlockSpec((N_FEAT, N_FEAT), lambda i: (0, 0)),
        pl.BlockSpec((2, _BR, 1), lambda i: (0, i, 0)),
    ],
    out_specs=[
        pl.BlockSpec((_BR, N_FEAT), lambda i: (i, 0)),
        pl.BlockSpec((_BR, 1), lambda i: (i, 0)),
    ],
    out_shape=[
        jax.ShapeDtypeStruct((N_NODES, N_FEAT), jnp.float32),
        jax.ShapeDtypeStruct((N_NODES, 1), jnp.float32),
    ],
)


def _b2_body(acc_ref, g_ref, dinv_ref, b_ref, w_ref, out_ref):
    s = acc_ref[0] + acc_ref[1] + g_ref[...]
    h = jnp.maximum(dinv_ref[...] * s + b_ref[...], 0.0)
    out_ref[...] = jnp.dot(h, w_ref[...],
                           preferred_element_type=jnp.float32) * dinv_ref[...]


_b2 = pl.pallas_call(
    _b2_body,
    grid=(N_NODES // _BR,),
    in_specs=[
        pl.BlockSpec((2, _BR, N_FEAT), lambda i: (0, i, 0)),
        pl.BlockSpec((_BR, N_FEAT), lambda i: (i, 0)),
        pl.BlockSpec((_BR, 1), lambda i: (i, 0)),
        pl.BlockSpec((1, N_FEAT), lambda i: (0, 0)),
        pl.BlockSpec((N_FEAT, N_FEAT), lambda i: (0, 0)),
    ],
    out_specs=pl.BlockSpec((_BR, N_FEAT), lambda i: (i, 0)),
    out_shape=jax.ShapeDtypeStruct((N_NODES, N_FEAT), jnp.float32),
)


def _b3_body(acc_ref, g_ref, dinv_ref, b_ref, w_ref, b3_ref, out_ref):
    s = acc_ref[0] + acc_ref[1] + g_ref[...]
    h = jnp.maximum(dinv_ref[...] * s + b_ref[...], 0.0)
    out_ref[...] = jnp.dot(h, w_ref[...],
                           preferred_element_type=jnp.float32) + b3_ref[...]


_b3 = pl.pallas_call(
    _b3_body,
    grid=(N_NODES // _BR,),
    in_specs=[
        pl.BlockSpec((2, _BR, N_FEAT), lambda i: (0, i, 0)),
        pl.BlockSpec((_BR, N_FEAT), lambda i: (i, 0)),
        pl.BlockSpec((_BR, 1), lambda i: (i, 0)),
        pl.BlockSpec((1, N_FEAT), lambda i: (0, 0)),
        pl.BlockSpec((N_FEAT, N_CLASS), lambda i: (0, 0)),
        pl.BlockSpec((1, N_CLASS), lambda i: (0, 0)),
    ],
    out_specs=pl.BlockSpec((_BR, N_CLASS), lambda i: (i, 0)),
    out_shape=jax.ShapeDtypeStruct((N_NODES, N_CLASS), jnp.float32),
)


def kernel(x, edge_index, W1, b1, W2, b2, W3, b3):
    src = edge_index[0].astype(jnp.int32)
    dst = edge_index[1].astype(jnp.int32)
    n_extra = E_PAD - N_EDGES
    src_p = jnp.concatenate(
        [src, jnp.zeros((n_extra,), jnp.int32)]).reshape(NW, NCHUNK, CW)
    dst_p = jnp.concatenate(
        [dst, jnp.full((n_extra,), N_NODES, jnp.int32)]).reshape(NW, NCHUNK, CW)

    degp = _deg_count(dst_p)
    g1, dinv = _b1(x, W1, degp[..., None])
    acc1 = _edge_agg(g1, src_p, dst_p)
    g2 = _b2(acc1, g1, dinv, b1.reshape(1, -1), W2)
    acc2 = _edge_agg(g2, src_p, dst_p)
    out = _b3(acc2, g2, dinv, b2.reshape(1, -1), W3, b3.reshape(1, -1))
    return out

# --- scband reference (transcript-rebuilt; emitter-appended) ---
"""Pipeline reference for scband-gcn-4612794876643 (READ-ONLY COPY).

The authoritative reference and input builder live on the scoring server;
editing this copy changes nothing except your own understanding.
"""

import jax, jax.numpy as jnp
import numpy as np

N_NODES = 10000
N_EDGES = 320000
N_FEAT = 128
N_HID = 128
N_CLASS = 64


def gcn_conv(x, edge_index, W, b):
    # PyG GCNConv: x' = D^-1/2 (A+I) D^-1/2 (x W) + b
    num_nodes = x.shape[0]
    h = x @ W
    src = edge_index[0]
    dst = edge_index[1]
    loop = jnp.arange(num_nodes, dtype=edge_index.dtype)
    src = jnp.concatenate([src, loop])
    dst = jnp.concatenate([dst, loop])
    deg = jnp.zeros((num_nodes,), dtype=h.dtype).at[dst].add(1.0)
    deg_inv_sqrt = jnp.where(deg > 0, deg ** -0.5, 0.0)
    norm = deg_inv_sqrt[src] * deg_inv_sqrt[dst]
    msg = h[src] * norm[:, None]
    out = jnp.zeros_like(h).at[dst].add(msg)
    return out + b


def setup_inputs(seed: int = 0) -> dict:
    key = jax.random.key(seed)
    ks = jax.random.split(key, 8)
    x = jax.random.normal(ks[0], (N_NODES, N_FEAT), dtype=jnp.float32)
    edge_index = jax.random.randint(ks[1], (2, N_EDGES), 0, N_NODES, dtype=jnp.int64)
    s1 = 1.0 / np.sqrt(N_FEAT)
    s2 = 1.0 / np.sqrt(N_HID)
    W1 = jax.random.uniform(ks[2], (N_FEAT, N_HID), dtype=jnp.float32, minval=-s1, maxval=s1)
    b1 = jnp.zeros((N_HID,), dtype=jnp.float32)
    W2 = jax.random.uniform(ks[3], (N_HID, N_HID), dtype=jnp.float32, minval=-s2, maxval=s2)
    b2 = jnp.zeros((N_HID,), dtype=jnp.float32)
    W3 = jax.random.uniform(ks[4], (N_HID, N_CLASS), dtype=jnp.float32, minval=-s2, maxval=s2)
    b3 = jax.random.uniform(ks[5], (N_CLASS,), dtype=jnp.float32, minval=-s2, maxval=s2)
    return {"x": x, "edge_index": edge_index, "W1": W1, "b1": b1, "W2": W2, "b2": b2, "W3": W3, "b3": b3}


def reference(x, edge_index, W1, b1, W2, b2, W3, b3):
    h = gcn_conv(x, edge_index, W1, b1)
    h = jax.nn.relu(h)
    # dropout is identity in eval mode
    h = gcn_conv(h, edge_index, W2, b2)
    h = jax.nn.relu(h)
    out = h @ W3 + b3
    return out

if __name__ == "__main__":
    import jax
    _d = setup_inputs()
    print(jax.jit(kernel)(*tuple(_d.values())))

</pallas_src>

<mosaic_0001>
#map = affine_map<(d0, d1) -> (0, 0, 0)>
#map1 = affine_map<(d0, d1) -> (0, 0)>
module attributes {stable_mosaic.version = 14 : i64} {
  func.func @_deg_body(%arg0: i32, %arg1: i32, %arg2: memref<32x79x128xi32, #tpu.memory_space<hbm>>, %arg3: memref<2x10240xf32, #tpu.memory_space<hbm>>, %arg4: memref<79x128xi32, #tpu.memory_space<vmem>>, %arg5: memref<128xf32, #tpu.memory_space<vmem>>, %arg6: memref<640xf32, #tpu.memory_space<vmem>>, %arg7: memref<10240xf32, #tpu.memory_space<vmem_shared>>) attributes {dimension_semantics = [#tpu.dimension_semantics<core_parallel>, #tpu.dimension_semantics<subcore_parallel>], iteration_bounds = array<i64: 2, 16>, scalar_prefetch = 0 : i64, scratch_operands = 4 : i64, tpu.core_type = #tpu.core_type<sc_vector_subcore>, window_params = [{transform_indices = #map}, {transform_indices = #map1}]} {
    %mul3A = arith.constant 16 : i32
    %mul3A_0 = arith.muli %arg0, %mul3A : i32
    %add3A = arith.addi %mul3A_0, %arg1 : i32
    "tpu.region"() ({
      %run_scoped3A = tpu.sem_alloc : memref<!tpu.dma_semaphore, #tpu.memory_space<semaphore_mem>>
      %dma_start3A = arith.constant 0 : i32
      %dma_start3A_25 = arith.constant 0 : i32
      %dma_start3A_26 = tpu.memref_slice %arg2[%add3A, %dma_start3A, %dma_start3A_25] : memref<32x79x128xi32, #tpu.memory_space<hbm>> -> memref<1x79x128xi32, #tpu.memory_space<hbm>>
      %dma_start3A_27 = tpu.memref_squeeze %dma_start3A_26 : memref<1x79x128xi32, #tpu.memory_space<hbm>> -> memref<79x128xi32, #tpu.memory_space<hbm>>
      %dma_start3A_28 = arith.constant 0 : i32
      %dma_start3A_29 = arith.constant 0 : i32
      %dma_start3A_30 = tpu.memref_slice %arg2[%add3A, %dma_start3A_28, %dma_start3A_29] : memref<32x79x128xi32, #tpu.memory_space<hbm>> -> memref<1x79x128xi32, #tpu.memory_space<hbm>>
      %dma_start3A_31 = tpu.memref_squeeze %dma_start3A_30 : memref<1x79x128xi32, #tpu.memory_space<hbm>> -> memref<79x128xi32, #tpu.memory_space<hbm>>
      tpu.enqueue_dma source(%dma_start3A_31 : memref<79x128xi32, #tpu.memory_space<hbm>>) target(%arg4 : memref<79x128xi32, #tpu.memory_space<vmem>>) target_semaphore(%run_scoped3A : memref<!tpu.dma_semaphore, #tpu.memory_space<semaphore_mem>>)
      %dma_wait3A = arith.constant 0 : i32
      %dma_wait3A_32 = arith.constant 0 : i32
      %dma_wait3A_33 = tpu.memref_slice %arg2[%add3A, %dma_wait3A, %dma_wait3A_32] : memref<32x79x128xi32, #tpu.memory_space<hbm>> -> memref<1x79x128xi32, #tpu.memory_space<hbm>>
      %dma_wait3A_34 = tpu.memref_squeeze %dma_wait3A_33 : memref<1x79x128xi32, #tpu.memory_space<hbm>> -> memref<79x128xi32, #tpu.memory_space<hbm>>
      %dma_wait3A_35 = arith.constant 0 : i32
      %dma_wait3A_36 = arith.constant 0 : i32
      %dma_wait3A_37 = tpu.memref_slice %arg2[%add3A, %dma_wait3A_35, %dma_wait3A_36] : memref<32x79x128xi32, #tpu.memory_space<hbm>> -> memref<1x79x128xi32, #tpu.memory_space<hbm>>
      %dma_wait3A_38 = tpu.memref_squeeze %dma_wait3A_37 : memref<1x79x128xi32, #tpu.memory_space<hbm>> -> memref<79x128xi32, #tpu.memory_space<hbm>>
      tpu.wait_dma2 semaphore(%run_scoped3A : memref<!tpu.dma_semaphore, #tpu.memory_space<semaphore_mem>>) src(%dma_wait3A_38 : memref<79x128xi32, #tpu.memory_space<hbm>>) dst(%arg4 : memref<79x128xi32, #tpu.memory_space<vmem>>)
      tpu.yield
    }) : () -> ()
    %scan3A = arith.constant 0 : i32
    %scan3A_1 = arith.constant 0 : i32
    %scan3A_2 = arith.constant 8 : i32
    %scan3A_3 = arith.addi %scan3A_1, %scan3A_2 : i32
    %scan3A_4 = arith.constant 1 : i32
    scf.for %scan3A_25 = %scan3A_1 to %scan3A_3 step %scan3A_4  : i32 {
      %broadcast_in_dim3A = arith.constant 1.000000e+00 : f32
      %broadcast_in_dim3A_26 = vector.broadcast %broadcast_in_dim3A : f32 to vector<16xf32>
      %mul3A_27 = arith.constant 16 : i32
      %mul3A_28 = arith.muli %scan3A_25, %mul3A_27 : i32
      %swap3A = arith.index_cast %mul3A_28 : i32 to index
      %swap3A_29 = tpu.vector_load %arg5[%swap3A] {strides = array<i32>} : memref<128xf32, #tpu.memory_space<vmem>>, vector<16xf32>,
      %swap3A_30 = vector.shape_cast %swap3A_29 : vector<16xf32> to vector<16xf32>
      %swap3A_31 = vector.shape_cast %broadcast_in_dim3A_26 : vector<16xf32> to vector<16xf32>
      tpu.vector_store %arg5[%swap3A], %swap3A_31 {strides = array<i32>} : memref<128xf32, #tpu.memory_space<vmem>>, vector<16xf32>,
      %broadcast_in_dim3A_32 = arith.constant 0.000000e+00 : f32
      %broadcast_in_dim3A_33 = vector.broadcast %broadcast_in_dim3A_32 : f32 to vector<16xf32>
      %mul3A_34 = arith.constant 16 : i32
      %mul3A_35 = arith.muli %scan3A_25, %mul3A_34 : i32
      %swap3A_36 = arith.index_cast %mul3A_35 : i32 to index
      %swap3A_37 = tpu.vector_load %arg6[%swap3A_36] {strides = array<i32>} : memref<640xf32, #tpu.memory_space<vmem>>, vector<16xf32>,
      %swap3A_38 = vector.shape_cast %swap3A_37 : vector<16xf32> to vector<16xf32>
      %swap3A_39 = vector.shape_cast %broadcast_in_dim3A_33 : vector<16xf32> to vector<16xf32>
      tpu.vector_store %arg6[%swap3A_36], %swap3A_39 {strides = array<i32>} : memref<640xf32, #tpu.memory_space<vmem>>, vector<16xf32>,
    }
    %scan3A_5 = arith.constant 8 : i32
    %scan3A_6 = arith.constant 0 : i32
    %scan3A_7 = arith.constant 8 : i32
    %scan3A_8 = arith.constant 32 : i32
    %scan3A_9 = arith.addi %scan3A_7, %scan3A_8 : i32
    %scan3A_10 = arith.constant 1 : i32
    scf.for %scan3A_25 = %scan3A_7 to %scan3A_9 step %scan3A_10  : i32 {
      %broadcast_in_dim3A = arith.constant 0.000000e+00 : f32
      %broadcast_in_dim3A_26 = vector.broadcast %broadcast_in_dim3A : f32 to vector<16xf32>
      %mul3A_27 = arith.constant 16 : i32
      %mul3A_28 = arith.muli %scan3A_25, %mul3A_27 : i32
      %swap3A = arith.index_cast %mul3A_28 : i32 to index
      %swap3A_29 = tpu.vector_load %arg6[%swap3A] {strides = array<i32>} : memref<640xf32, #tpu.memory_space<vmem>>, vector<16xf32>,
      %swap3A_30 = vector.shape_cast %swap3A_29 : vector<16xf32> to vector<16xf32>
      %swap3A_31 = vector.shape_cast %broadcast_in_dim3A_26 : vector<16xf32> to vector<16xf32>
      tpu.vector_store %arg6[%swap3A], %swap3A_31 {strides = array<i32>} : memref<640xf32, #tpu.memory_space<vmem>>, vector<16xf32>,
    }
    %scan3A_11 = arith.constant 32 : i32
    %mul3A_12 = arith.constant 640 : i32
    %mul3A_13 = arith.muli %arg1, %mul3A_12 : i32
    "tpu.region"() ({
      %run_scoped3A = tpu.sem_alloc : memref<!tpu.dma_semaphore, #tpu.memory_space<semaphore_mem>>
      %dma_start3A = tpu.memref_slice %arg7[%mul3A_13] : memref<10240xf32, #tpu.memory_space<vmem_shared>> -> memref<640xf32, #tpu.memory_space<vmem_shared>>
      %dma_start3A_25 = tpu.memref_slice %arg7[%mul3A_13] : memref<10240xf32, #tpu.memory_space<vmem_shared>> -> memref<640xf32, #tpu.memory_space<vmem_shared>>
      tpu.enqueue_dma source(%arg6 : memref<640xf32, #tpu.memory_space<vmem>>) target(%dma_start3A_25 : memref<640xf32, #tpu.memory_space<vmem_shared>>) target_semaphore(%run_scoped3A : memref<!tpu.dma_semaphore, #tpu.memory_space<semaphore_mem>>)
      %dma_wait3A = tpu.memref_slice %arg7[%mul3A_13] : memref<10240xf32, #tpu.memory_space<vmem_shared>> -> memref<640xf32, #tpu.memory_space<vmem_shared>>
      %dma_wait3A_26 = tpu.memref_slice %arg7[%mul3A_13] : memref<10240xf32, #tpu.memory_space<vmem_shared>> -> memref<640xf32, #tpu.memory_space<vmem_shared>>
      tpu.wait_dma2 semaphore(%run_scoped3A : memref<!tpu.dma_semaphore, #tpu.memory_space<semaphore_mem>>) src(%arg6 : memref<640xf32, #tpu.memory_space<vmem>>) dst(%dma_wait3A_26 : memref<640xf32, #tpu.memory_space<vmem_shared>>)
      tpu.yield
    }) : () -> ()
    %barrier3A = arith.constant 0 : index
    tpu.barrier barrier_id(%barrier3A)
    %scan3A_14 = arith.constant 0 : i32
    %scan3A_15 = arith.constant 0 : i32
    %scan3A_16 = arith.constant 79 : i32
    %scan3A_17 = arith.addi %scan3A_15, %scan3A_16 : i32
    %scan3A_18 = arith.constant 1 : i32
    scf.for %scan3A_25 = %scan3A_15 to %scan3A_17 step %scan3A_18  : i32 {
      "tpu.region"() ({
        %run_scoped3A = tpu.sem_alloc : memref<!tpu.dma_semaphore, #tpu.memory_space<semaphore_mem>>
        %dma_start3A = arith.constant 0 : i32
        %dma_start3A_26 = tpu.memref_slice %arg4[%scan3A_25, %dma_start3A] : memref<79x128xi32, #tpu.memory_space<vmem>> -> memref<1x128xi32, #tpu.memory_space<vmem>>
        %dma_start3A_27 = tpu.memref_squeeze %dma_start3A_26 : memref<1x128xi32, #tpu.memory_space<vmem>> -> memref<128xi32, #tpu.memory_space<vmem>>
        %dma_start3A_28 = arith.constant 0 : i32
        %dma_start3A_29 = tpu.memref_slice %arg7[%dma_start3A_28] : memref<10240xf32, #tpu.memory_space<vmem_shared>> -> memref<10240xf32, #tpu.memory_space<vmem_shared>>
        tpu.enqueue_indirect_dma source(%arg5 : memref<128xf32, #tpu.memory_space<vmem>>) target(%dma_start3A_29 : memref<10240xf32, #tpu.memory_space<vmem_shared>>) offsets(%dma_start3A_27 : memref<128xi32, #tpu.memory_space<vmem>>) semaphore(%run_scoped3A : memref<!tpu.dma_semaphore, #tpu.memory_space<semaphore_mem>>) {add = true}
        %dma_wait3A = arith.constant 0 : i32
        %dma_wait3A_30 = tpu.memref_slice %arg4[%scan3A_25, %dma_wait3A] : memref<79x128xi32, #tpu.memory_space<vmem>> -> memref<1x128xi32, #tpu.memory_space<vmem>>
        %dma_wait3A_31 = tpu.memref_squeeze %dma_wait3A_30 : memref<1x128xi32, #tpu.memory_space<vmem>> -> memref<128xi32, #tpu.memory_space<vmem>>
        %dma_wait3A_32 = arith.constant 0 : i32
        %dma_wait3A_33 = tpu.memref_slice %arg7[%dma_wait3A_32] : memref<10240xf32, #tpu.memory_space<vmem_shared>> -> memref<10240xf32, #tpu.memory_space<vmem_shared>>
        tpu.wait_indirect_dma semaphore(%run_scoped3A : memref<!tpu.dma_semaphore, #tpu.memory_space<semaphore_mem>>) src(%arg5 : memref<128xf32, #tpu.memory_space<vmem>>) dst(%dma_wait3A_33 : memref<10240xf32, #tpu.memory_space<vmem_shared>>)
        tpu.yield
      }) : () -> ()
    }
    %scan3A_19 = arith.constant 79 : i32
    %barrier3A_20 = arith.constant 0 : index
    tpu.barrier barrier_id(%barrier3A_20)
    %mul3A_21 = arith.constant 640 : i32
    %mul3A_22 = arith.muli %arg1, %mul3A_21 : i32
    %mul3A_23 = arith.constant 640 : i32
    %mul3A_24 = arith.muli %arg1, %mul3A_23 : i32
    "tpu.region"() ({
      %run_scoped3A = tpu.sem_alloc : memref<!tpu.dma_semaphore, #tpu.memory_space<semaphore_mem>>
      %dma_start3A = tpu.memref_slice %arg3[%arg0, %mul3A_24] : memref<2x10240xf32, #tpu.memory_space<hbm>> -> memref<1x640xf32, #tpu.memory_space<hbm>>
      %dma_start3A_25 = tpu.memref_squeeze %dma_start3A : memref<1x640xf32, #tpu.memory_space<hbm>> -> memref<640xf32, #tpu.memory_space<hbm>>
      %dma_start3A_26 = tpu.memref_slice %arg7[%mul3A_22] : memref<10240xf32, #tpu.memory_space<vmem_shared>> -> memref<640xf32, #tpu.memory_space<vmem_shared>>
      tpu.enqueue_dma source(%dma_start3A_26 : memref<640xf32, #tpu.memory_space<vmem_shared>>) target(%dma_start3A_25 : memref<640xf32, #tpu.memory_space<hbm>>) target_semaphore(%run_scoped3A : memref<!tpu.dma_semaphore, #tpu.memory_space<semaphore_mem>>)
      %dma_wait3A = tpu.memref_slice %arg3[%arg0, %mul3A_24] : memref<2x10240xf32, #tpu.memory_space<hbm>> -> memref<1x640xf32, #tpu.memory_space<hbm>>
      %dma_wait3A_27 = tpu.memref_squeeze %dma_wait3A : memref<1x640xf32, #tpu.memory_space<hbm>> -> memref<640xf32, #tpu.memory_space<hbm>>
      %dma_wait3A_28 = tpu.memref_slice %arg7[%mul3A_22] : memref<10240xf32, #tpu.memory_space<vmem_shared>> -> memref<640xf32, #tpu.memory_space<vmem_shared>>
      tpu.wait_dma2 semaphore(%run_scoped3A : memref<!tpu.dma_semaphore, #tpu.memory_space<semaphore_mem>>) src(%dma_wait3A_28 : memref<640xf32, #tpu.memory_space<vmem_shared>>) dst(%dma_wait3A_27 : memref<640xf32, #tpu.memory_space<hbm>>)
      tpu.yield
    }) : () -> ()
    return
  }
}

#map = affine_map<(d0, d1) -> (0, 0)>
#map1 = affine_map<(d0, d1) -> (0, 0, 0)>
module attributes {stable_mosaic.version = 14 : i64} {
  func.func @_agg_body(%arg0: i32, %arg1: i32, %arg2: memref<10000x128xf32, #tpu.memory_space<hbm>>, %arg3: memref<32x79x128xi32, #tpu.memory_space<hbm>>, %arg4: memref<32x79x128xi32, #tpu.memory_space<hbm>>, %arg5: memref<2x10240x128xf32, #tpu.memory_space<hbm>>, %arg6: memref<79x128xi32, #tpu.memory_space<vmem>>, %arg7: memref<79x128xi32, #tpu.memory_space<vmem>>, %arg8: memref<128x128xf32, #tpu.memory_space<vmem>>, %arg9: memref<10240x128xf32, #tpu.memory_space<vmem_shared>>) attributes {dimension_semantics = [#tpu.dimension_semantics<core_parallel>, #tpu.dimension_semantics<subcore_parallel>], iteration_bounds = array<i64: 2, 16>, scalar_prefetch = 0 : i64, scratch_operands = 4 : i64, tpu.core_type = #tpu.core_type<sc_vector_subcore>, window_params = [{transform_indices = #map}, {transform_indices = #map1}, {transform_indices = #map1}, {transform_indices = #map1}]} {
    %mul3A = arith.constant 16 : i32
    %mul3A_0 = arith.muli %arg0, %mul3A : i32
    %add3A = arith.addi %mul3A_0, %arg1 : i32
    "tpu.region"() ({
      %run_scoped3A = tpu.sem_alloc : memref<!tpu.dma_semaphore, #tpu.memory_space<semaphore_mem>>
      %dma_start3A = arith.constant 0 : i32
      %dma_start3A_37 = arith.constant 0 : i32
      %dma_start3A_38 = tpu.memref_slice %arg3[%add3A, %dma_start3A, %dma_start3A_37] : memref<32x79x128xi32, #tpu.memory_space<hbm>> -> memref<1x79x128xi32, #tpu.memory_space<hbm>>
      %dma_start3A_39 = tpu.memref_squeeze %dma_start3A_38 : memref<1x79x128xi32, #tpu.memory_space<hbm>> -> memref<79x128xi32, #tpu.memory_space<hbm>>
      %dma_start3A_40 = arith.constant 0 : i32
      %dma_start3A_41 = arith.constant 0 : i32
      %dma_start3A_42 = tpu.memref_slice %arg3[%add3A, %dma_start3A_40, %dma_start3A_41] : memref<32x79x128xi32, #tpu.memory_space<hbm>> -> memref<1x79x128xi32, #tpu.memory_space<hbm>>
      %dma_start3A_43 = tpu.memref_squeeze %dma_start3A_42 : memref<1x79x128xi32, #tpu.memory_space<hbm>> -> memref<79x128xi32, #tpu.memory_space<hbm>>
      tpu.enqueue_dma source(%dma_start3A_43 : memref<79x128xi32, #tpu.memory_space<hbm>>) target(%arg6 : memref<79x128xi32, #tpu.memory_space<vmem>>) target_semaphore(%run_scoped3A : memref<!tpu.dma_semaphore, #tpu.memory_space<semaphore_mem>>)
      %dma_wait3A = arith.constant 0 : i32
      %dma_wait3A_44 = arith.constant 0 : i32
      %dma_wait3A_45 = tpu.memref_slice %arg3[%add3A, %dma_wait3A, %dma_wait3A_44] : memref<32x79x128xi32, #tpu.memory_space<hbm>> -> memref<1x79x128xi32, #tpu.memory_space<hbm>>
      %dma_wait3A_46 = tpu.memref_squeeze %dma_wait3A_45 : memref<1x79x128xi32, #tpu.memory_space<hbm>> -> memref<79x128xi32, #tpu.memory_space<hbm>>
      %dma_wait3A_47 = arith.constant 0 : i32
      %dma_wait3A_48 = arith.constant 0 : i32
      %dma_wait3A_49 = tpu.memref_slice %arg3[%add3A, %dma_wait3A_47, %dma_wait3A_48] : memref<32x79x128xi32, #tpu.memory_space<hbm>> -> memref<1x79x128xi32, #tpu.memory_space<hbm>>
      %dma_wait3A_50 = tpu.memref_squeeze %dma_wait3A_49 : memref<1x79x128xi32, #tpu.memory_space<hbm>> -> memref<79x128xi32, #tpu.memory_space<hbm>>
      tpu.wait_dma2 semaphore(%run_scoped3A : memref<!tpu.dma_semaphore, #tpu.memory_space<semaphore_mem>>) src(%dma_wait3A_50 : memref<79x128xi32, #tpu.memory_space<hbm>>) dst(%arg6 : memref<79x128xi32, #tpu.memory_space<vmem>>)
      tpu.yield
    }) : () -> ()
    "tpu.region"() ({
      %run_scoped3A = tpu.sem_alloc : memref<!tpu.dma_semaphore, #tpu.memory_space<semaphore_mem>>
      %dma_start3A = arith.constant 0 : i32
      %dma_start3A_37 = arith.constant 0 : i32
      %dma_start3A_38 = tpu.memref_slice %arg4[%add3A, %dma_start3A, %dma_start3A_37] : memref<32x79x128xi32, #tpu.memory_space<hbm>> -> memref<1x79x128xi32, #tpu.memory_space<hbm>>
      %dma_start3A_39 = tpu.memref_squeeze %dma_start3A_38 : memref<1x79x128xi32, #tpu.memory_space<hbm>> -> memref<79x128xi32, #tpu.memory_space<hbm>>
      %dma_start3A_40 = arith.constant 0 : i32
      %dma_start3A_41 = arith.constant 0 : i32
      %dma_start3A_42 = tpu.memref_slice %arg4[%add3A, %dma_start3A_40, %dma_start3A_41] : memref<32x79x128xi32, #tpu.memory_space<hbm>> -> memref<1x79x128xi32, #tpu.memory_space<hbm>>
      %dma_start3A_43 = tpu.memref_squeeze %dma_start3A_42 : memref<1x79x128xi32, #tpu.memory_space<hbm>> -> memref<79x128xi32, #tpu.memory_space<hbm>>
      tpu.enqueue_dma source(%dma_start3A_43 : memref<79x128xi32, #tpu.memory_space<hbm>>) target(%arg7 : memref<79x128xi32, #tpu.memory_space<vmem>>) target_semaphore(%run_scoped3A : memref<!tpu.dma_semaphore, #tpu.memory_space<semaphore_mem>>)
      %dma_wait3A = arith.constant 0 : i32
      %dma_wait3A_44 = arith.constant 0 : i32
      %dma_wait3A_45 = tpu.memref_slice %arg4[%add3A, %dma_wait3A, %dma_wait3A_44] : memref<32x79x128xi32, #tpu.memory_space<hbm>> -> memref<1x79x128xi32, #tpu.memory_space<hbm>>
      %dma_wait3A_46 = tpu.memref_squeeze %dma_wait3A_45 : memref<1x79x128xi32, #tpu.memory_space<hbm>> -> memref<79x128xi32, #tpu.memory_space<hbm>>
      %dma_wait3A_47 = arith.constant 0 : i32
      %dma_wait3A_48 = arith.constant 0 : i32
      %dma_wait3A_49 = tpu.memref_slice %arg4[%add3A, %dma_wait3A_47, %dma_wait3A_48] : memref<32x79x128xi32, #tpu.memory_space<hbm>> -> memref<1x79x128xi32, #tpu.memory_space<hbm>>
      %dma_wait3A_50 = tpu.memref_squeeze %dma_wait3A_49 : memref<1x79x128xi32, #tpu.memory_space<hbm>> -> memref<79x128xi32, #tpu.memory_space<hbm>>
      tpu.wait_dma2 semaphore(%run_scoped3A : memref<!tpu.dma_semaphore, #tpu.memory_space<semaphore_mem>>) src(%dma_wait3A_50 : memref<79x128xi32, #tpu.memory_space<hbm>>) dst(%arg7 : memref<79x128xi32, #tpu.memory_space<vmem>>)
      tpu.yield
    }) : () -> ()
    %scan3A = arith.constant 0 : i32
    %scan3A_1 = arith.constant 0 : i32
    %scan3A_2 = arith.constant 128 : i32
    %scan3A_3 = arith.addi %scan3A_1, %scan3A_2 : i32
    %scan3A_4 = arith.constant 1 : i32
    scf.for %scan3A_37 = %scan3A_1 to %scan3A_3 step %scan3A_4  : i32 {
      %broadcast_in_dim3A = arith.constant 0.000000e+00 : f32
      %broadcast_in_dim3A_38 = vector.broadcast %broadcast_in_dim3A : f32 to vector<16xf32>
      %swap3A = arith.index_cast %scan3A_37 : i32 to index
      %swap3A_39 = arith.constant 0 : index
      %swap3A_40 = tpu.vector_load %arg8[%swap3A, %swap3A_39] {strides = array<i32>} : memref<128x128xf32, #tpu.memory_space<vmem>>, vector<1x16xf32>,
      %swap3A_41 = vector.shape_cast %swap3A_40 : vector<1x16xf32> to vector<16xf32>
      %swap3A_42 = vector.shape_cast %broadcast_in_dim3A_38 : vector<16xf32> to vector<1x16xf32>
      tpu.vector_store %arg8[%swap3A, %swap3A_39], %swap3A_42 {strides = array<i32>} : memref<128x128xf32, #tpu.memory_space<vmem>>, vector<1x16xf32>,
      %broadcast_in_dim3A_43 = arith.constant 0.000000e+00 : f32
      %broadcast_in_dim3A_44 = vector.broadcast %broadcast_in_dim3A_43 : f32 to vector<16xf32>
      %swap3A_45 = arith.index_cast %scan3A_37 : i32 to index
      %swap3A_46 = arith.constant 16 : index
      %swap3A_47 = tpu.vector_load %arg8[%swap3A_45, %swap3A_46] {strides = array<i32>} : memref<128x128xf32, #tpu.memory_space<vmem>>, vector<1x16xf32>,
      %swap3A_48 = vector.shape_cast %swap3A_47 : vector<1x16xf32> to vector<16xf32>
      %swap3A_49 = vector.shape_cast %broadcast_in_dim3A_44 : vector<16xf32> to vector<1x16xf32>
      tpu.vector_store %arg8[%swap3A_45, %swap3A_46], %swap3A_49 {strides = array<i32>} : memref<128x128xf32, #tpu.memory_space<vmem>>, vector<1x16xf32>,
      %broadcast_in_dim3A_50 = arith.constant 0.000000e+00 : f32
      %broadcast_in_dim3A_51 = vector.broadcast %broadcast_in_dim3A_50 : f32 to vector<16xf32>
      %swap3A_52 = arith.index_cast %scan3A_37 : i32 to index
      %swap3A_53 = arith.constant 32 : index
      %swap3A_54 = tpu.vector_load %arg8[%swap3A_52, %swap3A_53] {strides = array<i32>} : memref<128x128xf32, #tpu.memory_space<vmem>>, vector<1x16xf32>,
      %swap3A_55 = vector.shape_cast %swap3A_54 : vector<1x16xf32> to vector<16xf32>
      %swap3A_56 = vector.shape_cast %broadcast_in_dim3A_51 : vector<16xf32> to vector<1x16xf32>
      tpu.vector_store %arg8[%swap3A_52, %swap3A_53], %swap3A_56 {strides = array<i32>} : memref<128x128xf32, #tpu.memory_space<vmem>>, vector<1x16xf32>,
      %broadcast_in_dim3A_57 = arith.constant 0.000000e+00 : f32
      %broadcast_in_dim3A_58 = vector.broadcast %broadcast_in_dim3A_57 : f32 to vector<16xf32>
      %swap3A_59 = arith.index_cast %scan3A_37 : i32 to index
      %swap3A_60 = arith.constant 48 : index
      %swap3A_61 = tpu.vector_load %arg8[%swap3A_59, %swap3A_60] {strides = array<i32>} : memref<128x128xf32, #tpu.memory_space<vmem>>, vector<1x16xf32>,
      %swap3A_62 = vector.shape_cast %swap3A_61 : vector<1x16xf32> to vector<16xf32>
      %swap3A_63 = vector.shape_cast %broadcast_in_dim3A_58 : vector<16xf32> to vector<1x16xf32>
      tpu.vector_store %arg8[%swap3A_59, %swap3A_60], %swap3A_63 {strides = array<i32>} : memref<128x128xf32, #tpu.memory_space<vmem>>, vector<1x16xf32>,
      %broadcast_in_dim3A_64 = arith.constant 0.000000e+00 : f32
      %broadcast_in_dim3A_65 = vector.broadcast %broadcast_in_dim3A_64 : f32 to vector<16xf32>
      %swap3A_66 = arith.index_cast %scan3A_37 : i32 to index
      %swap3A_67 = arith.constant 64 : index
      %swap3A_68 = tpu.vector_load %arg8[%swap3A_66, %swap3A_67] {strides = array<i32>} : memref<128x128xf32, #tpu.memory_space<vmem>>, vector<1x16xf32>,
      %swap3A_69 = vector.shape_cast %swap3A_68 : vector<1x16xf32> to vector<16xf32>
      %swap3A_70 = vector.shape_cast %broadcast_in_dim3A_65 : vector<16xf32> to vector<1x16xf32>
      tpu.vector_store %arg8[%swap3A_66, %swap3A_67], %swap3A_70 {strides = array<i32>} : memref<128x128xf32, #tpu.memory_space<vmem>>, vector<1x16xf32>,
      %broadcast_in_dim3A_71 = arith.constant 0.000000e+00 : f32
      %broadcast_in_dim3A_72 = vector.broadcast %broadcast_in_dim3A_71 : f32 to vector<16xf32>
      %swap3A_73 = arith.index_cast %scan3A_37 : i32 to index
      %swap3A_74 = arith.constant 80 : index
      %swap3A_75 = tpu.vector_load %arg8[%swap3A_73, %swap3A_74] {strides = array<i32>} : memref<128x128xf32, #tpu.memory_space<vmem>>, vector<1x16xf32>,
      %swap3A_76 = vector.shape_cast %swap3A_75 : vector<1x16xf32> to vector<16xf32>
      %swap3A_77 = vector.shape_cast %broadcast_in_dim3A_72 : vector<16xf32> to vector<1x16xf32>
      tpu.vector_store %arg8[%swap3A_73, %swap3A_74], %swap3A_77 {strides = array<i32>} : memref<128x128xf32, #tpu.memory_space<vmem>>, vector<1x16xf32>,
      %broadcast_in_dim3A_78 = arith.constant 0.000000e+00 : f32
      %broadcast_in_dim3A_79 = vector.broadcast %broadcast_in_dim3A_78 : f32 to vector<16xf32>
      %swap3A_80 = arith.index_cast %scan3A_37 : i32 to index
      %swap3A_81 = arith.constant 96 : index
      %swap3A_82 = tpu.vector_load %arg8[%swap3A_80, %swap3A_81] {strides = array<i32>} : memref<128x128xf32, #tpu.memory_space<vmem>>, vector<1x16xf32>,
      %swap3A_83 = vector.shape_cast %swap3A_82 : vector<1x16xf32> to vector<16xf32>
      %swap3A_84 = vector.shape_cast %broadcast_in_dim3A_79 : vector<16xf32> to vector<1x16xf32>
      tpu.vector_store %arg8[%swap3A_80, %swap3A_81], %swap3A_84 {strides = array<i32>} : memref<128x128xf32, #tpu.memory_space<vmem>>, vector<1x16xf32>,
      %broadcast_in_dim3A_85 = arith.constant 0.000000e+00 : f32
      %broadcast_in_dim3A_86 = vector.broadcast %broadcast_in_dim3A_85 : f32 to vector<16xf32>
      %swap3A_87 = arith.index_cast %scan3A_37 : i32 to index
      %swap3A_88 = arith.constant 112 : index
      %swap3A_89 = tpu.vector_load %arg8[%swap3A_87, %swap3A_88] {strides = array<i32>} : memref<128x128xf32, #tpu.memory_space<vmem>>, vector<1x16xf32>,
      %swap3A_90 = vector.shape_cast %swap3A_89 : vector<1x16xf32> to vector<16xf32>
      %swap3A_91 = vector.shape_cast %broadcast_in_dim3A_86 : vector<16xf32> to vector<1x16xf32>
      tpu.vector_store %arg8[%swap3A_87, %swap3A_88], %swap3A_91 {strides = array<i32>} : memref<128x128xf32, #tpu.memory_space<vmem>>, vector<1x16xf32>,
    }
    %scan3A_5 = arith.constant 128 : i32
    %mul3A_6 = arith.constant 640 : i32
    %mul3A_7 = arith.muli %arg1, %mul3A_6 : i32
    %add3A_8 = arith.constant 0 : i32
    %add3A_9 = arith.addi %mul3A_7, %add3A_8 : i32
    "tpu.region"() ({
      %run_scoped3A = tpu.sem_alloc : memref<!tpu.dma_semaphore, #tpu.memory_space<semaphore_mem>>
      %dma_start3A = arith.constant 0 : i32
      %dma_start3A_37 = tpu.memref_slice %arg9[%add3A_9, %dma_start3A] : memref<10240x128xf32, #tpu.memory_space<vmem_shared>> -> memref<128x128xf32, #tpu.memory_space<vmem_shared>>
      %dma_start3A_38 = arith.constant 0 : i32
      %dma_start3A_39 = tpu.memref_slice %arg9[%add3A_9, %dma_start3A_38] : memref<10240x128xf32, #tpu.memory_space<vmem_shared>> -> memref<128x128xf32, #tpu.memory_space<vmem_shared>>
      tpu.enqueue_dma source(%arg8 : memref<128x128xf32, #tpu.memory_space<vmem>>) target(%dma_start3A_39 : memref<128x128xf32, #tpu.memory_space<vmem_shared>>) target_semaphore(%run_scoped3A : memref<!tpu.dma_semaphore, #tpu.memory_space<semaphore_mem>>)
      %dma_wait3A = arith.constant 0 : i32
      %dma_wait3A_40 = tpu.memref_slice %arg9[%add3A_9, %dma_wait3A] : memref<10240x128xf32, #tpu.memory_space<vmem_shared>> -> memref<128x128xf32, #tpu.memory_space<vmem_shared>>
      %dma_wait3A_41 = arith.constant 0 : i32
      %dma_wait3A_42 = tpu.memref_slice %arg9[%add3A_9, %dma_wait3A_41] : memref<10240x128xf32, #tpu.memory_space<vmem_shared>> -> memref<128x128xf32, #tpu.memory_space<vmem_shared>>
      tpu.wait_dma2 semaphore(%run_scoped3A : memref<!tpu.dma_semaphore, #tpu.memory_space<semaphore_mem>>) src(%arg8 : memref<128x128xf32, #tpu.memory_space<vmem>>) dst(%dma_wait3A_42 : memref<128x128xf32, #tpu.memory_space<vmem_shared>>)
      tpu.yield
    }) : () -> ()
    %mul3A_10 = arith.constant 640 : i32
    %mul3A_11 = arith.muli %arg1, %mul3A_10 : i32
    %add3A_12 = arith.constant 128 : i32
    %add3A_13 = arith.addi %mul3A_11, %add3A_12 : i32
    "tpu.region"() ({
      %run_scoped3A = tpu.sem_alloc : memref<!tpu.dma_semaphore, #tpu.memory_space<semaphore_mem>>
      %dma_start3A = arith.constant 0 : i32
      %dma_start3A_37 = tpu.memref_slice %arg9[%add3A_13, %dma_start3A] : memref<10240x128xf32, #tpu.memory_space<vmem_shared>> -> memref<128x128xf32, #tpu.memory_space<vmem_shared>>
      %dma_start3A_38 = arith.constant 0 : i32
      %dma_start3A_39 = tpu.memref_slice %arg9[%add3A_13, %dma_start3A_38] : memref<10240x128xf32, #tpu.memory_space<vmem_shared>> -> memref<128x128xf32, #tpu.memory_space<vmem_shared>>
      tpu.enqueue_dma source(%arg8 : memref<128x128xf32, #tpu.memory_space<vmem>>) target(%dma_start3A_39 : memref<128x128xf32, #tpu.memory_space<vmem_shared>>) target_semaphore(%run_scoped3A : memref<!tpu.dma_semaphore, #tpu.memory_space<semaphore_mem>>)
      %dma_wait3A = arith.constant 0 : i32
      %dma_wait3A_40 = tpu.memref_slice %arg9[%add3A_13, %dma_wait3A] : memref<10240x128xf32, #tpu.memory_space<vmem_shared>> -> memref<128x128xf32, #tpu.memory_space<vmem_shared>>
      %dma_wait3A_41 = arith.constant 0 : i32
      %dma_wait3A_42 = tpu.memref_slice %arg9[%add3A_13, %dma_wait3A_41] : memref<10240x128xf32, #tpu.memory_space<vmem_shared>> -> memref<128x128xf32, #tpu.memory_space<vmem_shared>>
      tpu.wait_dma2 semaphore(%run_scoped3A : memref<!tpu.dma_semaphore, #tpu.memory_space<semaphore_mem>>) src(%arg8 : memref<128x128xf32, #tpu.memory_space<vmem>>) dst(%dma_wait3A_42 : memref<128x128xf32, #tpu.memory_space<vmem_shared>>)
      tpu.yield
    }) : () -> ()
    %mul3A_14 = arith.constant 640 : i32
    %mul3A_15 = arith.muli %arg1, %mul3A_14 : i32
    %add3A_16 = arith.constant 256 : i32
    %add3A_17 = arith.addi %mul3A_15, %add3A_16 : i32
    "tpu.region"() ({
      %run_scoped3A = tpu.sem_alloc : memref<!tpu.dma_semaphore, #tpu.memory_space<semaphore_mem>>
      %dma_start3A = arith.constant 0 : i32
      %dma_start3A_37 = tpu.memref_slice %arg9[%add3A_17, %dma_start3A] : memref<10240x128xf32, #tpu.memory_space<vmem_shared>> -> memref<128x128xf32, #tpu.memory_space<vmem_shared>>
      %dma_start3A_38 = arith.constant 0 : i32
      %dma_start3A_39 = tpu.memref_slice %arg9[%add3A_17, %dma_start3A_38] : memref<10240x128xf32, #tpu.memory_space<vmem_shared>> -> memref<128x128xf32, #tpu.memory_space<vmem_shared>>
      tpu.enqueue_dma source(%arg8 : memref<128x128xf32, #tpu.memory_space<vmem>>) target(%dma_start3A_39 : memref<128x128xf32, #tpu.memory_space<vmem_shared>>) target_semaphore(%run_scoped3A : memref<!tpu.dma_semaphore, #tpu.memory_space<semaphore_mem>>)
      %dma_wait3A = arith.constant 0 : i32
      %dma_wait3A_40 = tpu.memref_slice %arg9[%add3A_17, %dma_wait3A] : memref<10240x128xf32, #tpu.memory_space<vmem_shared>> -> memref<128x128xf32, #tpu.memory_space<vmem_shared>>
      %dma_wait3A_41 = arith.constant 0 : i32
      %dma_wait3A_42 = tpu.memref_slice %arg9[%add3A_17, %dma_wait3A_41] : memref<10240x128xf32, #tpu.memory_space<vmem_shared>> -> memref<128x128xf32, #tpu.memory_space<vmem_shared>>
      tpu.wait_dma2 semaphore(%run_scoped3A : memref<!tpu.dma_semaphore, #tpu.memory_space<semaphore_mem>>) src(%arg8 : memref<128x128xf32, #tpu.memory_space<vmem>>) dst(%dma_wait3A_42 : memref<128x128xf32, #tpu.memory_space<vmem_shared>>)
      tpu.yield
    }) : () -> ()
    %mul3A_18 = arith.constant 640 : i32
    %mul3A_19 = arith.muli %arg1, %mul3A_18 : i32
    %add3A_20 = arith.constant 384 : i32
    %add3A_21 = arith.addi %mul3A_19, %add3A_20 : i32
    "tpu.region"() ({
      %run_scoped3A = tpu.sem_alloc : memref<!tpu.dma_semaphore, #tpu.memory_space<semaphore_mem>>
      %dma_start3A = arith.constant 0 : i32
      %dma_start3A_37 = tpu.memref_slice %arg9[%add3A_21, %dma_start3A] : memref<10240x128xf32, #tpu.memory_space<vmem_shared>> -> memref<128x128xf32, #tpu.memory_space<vmem_shared>>
      %dma_start3A_38 = arith.constant 0 : i32
      %dma_start3A_39 = tpu.memref_slice %arg9[%add3A_21, %dma_start3A_38] : memref<10240x128xf32, #tpu.memory_space<vmem_shared>> -> memref<128x128xf32, #tpu.memory_space<vmem_shared>>
      tpu.enqueue_dma source(%arg8 : memref<128x128xf32, #tpu.memory_space<vmem>>) target(%dma_start3A_39 : memref<128x128xf32, #tpu.memory_space<vmem_shared>>) target_semaphore(%run_scoped3A : memref<!tpu.dma_semaphore, #tpu.memory_space<semaphore_mem>>)
      %dma_wait3A = arith.constant 0 : i32
      %dma_wait3A_40 = tpu.memref_slice %arg9[%add3A_21, %dma_wait3A] : memref<10240x128xf32, #tpu.memory_space<vmem_shared>> -> memref<128x128xf32, #tpu.memory_space<vmem_shared>>
      %dma_wait3A_41 = arith.constant 0 : i32
      %dma_wait3A_42 = tpu.memref_slice %arg9[%add3A_21, %dma_wait3A_41] : memref<10240x128xf32, #tpu.memory_space<vmem_shared>> -> memref<128x128xf32, #tpu.memory_space<vmem_shared>>
      tpu.wait_dma2 semaphore(%run_scoped3A : memref<!tpu.dma_semaphore, #tpu.memory_space<semaphore_mem>>) src(%arg8 : memref<128x128xf32, #tpu.memory_space<vmem>>) dst(%dma_wait3A_42 : memref<128x128xf32, #tpu.memory_space<vmem_shared>>)
      tpu.yield
    }) : () -> ()
    %mul3A_22 = arith.constant 640 : i32
    %mul3A_23 = arith.muli %arg1, %mul3A_22 : i32
    %add3A_24 = arith.constant 512 : i32
    %add3A_25 = arith.addi %mul3A_23, %add3A_24 : i32
    "tpu.region"() ({
      %run_scoped3A = tpu.sem_alloc : memref<!tpu.dma_semaphore, #tpu.memory_space<semaphore_mem>>
      %dma_start3A = arith.constant 0 : i32
      %dma_start3A_37 = tpu.memref_slice %arg9[%add3A_25, %dma_start3A] : memref<10240x128xf32, #tpu.memory_space<vmem_shared>> -> memref<128x128xf32, #tpu.memory_space<vmem_shared>>
      %dma_start3A_38 = arith.constant 0 : i32
      %dma_start3A_39 = tpu.memref_slice %arg9[%add3A_25, %dma_start3A_38] : memref<10240x128xf32, #tpu.memory_space<vmem_shared>> -> memref<128x128xf32, #tpu.memory_space<vmem_shared>>
      tpu.enqueue_dma source(%arg8 : memref<128x128xf32, #tpu.memory_space<vmem>>) target(%dma_start3A_39 : memref<128x128xf32, #tpu.memory_space<vmem_shared>>) target_semaphore(%run_scoped3A : memref<!tpu.dma_semaphore, #tpu.memory_space<semaphore_mem>>)
      %dma_wait3A = arith.constant 0 : i32
      %dma_wait3A_40 = tpu.memref_slice %arg9[%add3A_25, %dma_wait3A] : memref<10240x128xf32, #tpu.memory_space<vmem_shared>> -> memref<128x128xf32, #tpu.memory_space<vmem_shared>>
      %dma_wait3A_41 = arith.constant 0 : i32
      %dma_wait3A_42 = tpu.memref_slice %arg9[%add3A_25, %dma_wait3A_41] : memref<10240x128xf32, #tpu.memory_space<vmem_shared>> -> memref<128x128xf32, #tpu.memory_space<vmem_shared>>
      tpu.wait_dma2 semaphore(%run_scoped3A : memref<!tpu.dma_semaphore, #tpu.memory_space<semaphore_mem>>) src(%arg8 : memref<128x128xf32, #tpu.memory_space<vmem>>) dst(%dma_wait3A_42 : memref<128x128xf32, #tpu.memory_space<vmem_shared>>)
      tpu.yield
    }) : () -> ()
    %barrier3A = arith.constant 0 : index
    tpu.barrier barrier_id(%barrier3A)
    %scan3A_26 = arith.constant 0 : i32
    %scan3A_27 = arith.constant 0 : i32
    %scan3A_28 = arith.constant 79 : i32
    %scan3A_29 = arith.addi %scan3A_27, %scan3A_28 : i32
    %scan3A_30 = arith.constant 1 : i32
    scf.for %scan3A_37 = %scan3A_27 to %scan3A_29 step %scan3A_30  : i32 {
      "tpu.region"() ({
        %run_scoped3A = tpu.sem_alloc : memref<!tpu.dma_semaphore, #tpu.memory_space<semaphore_mem>>
        %dma_start3A = arith.constant 0 : i32
        %dma_start3A_38 = tpu.memref_slice %arg6[%scan3A_37, %dma_start3A] : memref<79x128xi32, #tpu.memory_space<vmem>> -> memref<1x128xi32, #tpu.memory_space<vmem>>
        %dma_start3A_39 = tpu.memref_squeeze %dma_start3A_38 : memref<1x128xi32, #tpu.memory_space<vmem>> -> memref<128xi32, #tpu.memory_space<vmem>>
        %dma_start3A_40 = arith.constant 0 : i32
        %dma_start3A_41 = arith.constant 0 : i32
        %dma_start3A_42 = tpu.memref_slice %arg2[%dma_start3A_40, %dma_start3A_41] : memref<10000x128xf32, #tpu.memory_space<hbm>> -> memref<10000x128xf32, #tpu.memory_space<hbm>>
        tpu.enqueue_indirect_dma source(%dma_start3A_42 : memref<10000x128xf32, #tpu.memory_space<hbm>>) target(%arg8 : memref<128x128xf32, #tpu.memory_space<vmem>>) offsets(%dma_start3A_39 : memref<128xi32, #tpu.memory_space<vmem>>) semaphore(%run_scoped3A : memref<!tpu.dma_semaphore, #tpu.memory_space<semaphore_mem>>)
        %dma_wait3A = arith.constant 0 : i32
        %dma_wait3A_43 = tpu.memref_slice %arg6[%scan3A_37, %dma_wait3A] : memref<79x128xi32, #tpu.memory_space<vmem>> -> memref<1x128xi32, #tpu.memory_space<vmem>>
        %dma_wait3A_44 = tpu.memref_squeeze %dma_wait3A_43 : memref<1x128xi32, #tpu.memory_space<vmem>> -> memref<128xi32, #tpu.memory_space<vmem>>
        %dma_wait3A_45 = arith.constant 0 : i32
        %dma_wait3A_46 = arith.constant 0 : i32
        %dma_wait3A_47 = tpu.memref_slice %arg2[%dma_wait3A_45, %dma_wait3A_46] : memref<10000x128xf32, #tpu.memory_space<hbm>> -> memref<10000x128xf32, #tpu.memory_space<hbm>>
        tpu.wait_indirect_dma semaphore(%run_scoped3A : memref<!tpu.dma_semaphore, #tpu.memory_space<semaphore_mem>>) src(%dma_wait3A_47 : memref<10000x128xf32, #tpu.memory_space<hbm>>) dst(%arg8 : memref<128x128xf32, #tpu.memory_space<vmem>>)
        tpu.yield
      }) : () -> ()
      "tpu.region"() ({
        %run_scoped3A = tpu.sem_alloc : memref<!tpu.dma_semaphore, #tpu.memory_space<semaphore_mem>>
        %dma_start3A = arith.constant 0 : i32
        %dma_start3A_38 = tpu.memref_slice %arg7[%scan3A_37, %dma_start3A] : memref<79x128xi32, #tpu.memory_space<vmem>> -> memref<1x128xi32, #tpu.memory_space<vmem>>
        %dma_start3A_39 = tpu.memref_squeeze %dma_start3A_38 : memref<1x128xi32, #tpu.memory_space<vmem>> -> memref<128xi32, #tpu.memory_space<vmem>>
        %dma_start3A_40 = arith.constant 0 : i32
        %dma_start3A_41 = arith.constant 0 : i32
        %dma_start3A_42 = tpu.memref_slice %arg9[%dma_start3A_40, %dma_start3A_41] : memref<10240x128xf32, #tpu.memory_space<vmem_shared>> -> memref<10240x128xf32, #tpu.memory_space<vmem_shared>>
        tpu.enqueue_indirect_dma source(%arg8 : memref<128x128xf32, #tpu.memory_space<vmem>>) target(%dma_start3A_42 : memref<10240x128xf32, #tpu.memory_space<vmem_shared>>) offsets(%dma_start3A_39 : memref<128xi32, #tpu.memory_space<vmem>>) semaphore(%run_scoped3A : memref<!tpu.dma_semaphore, #tpu.memory_space<semaphore_mem>>) {add = true}
        %dma_wait3A = arith.constant 0 : i32
        %dma_wait3A_43 = tpu.memref_slice %arg7[%scan3A_37, %dma_wait3A] : memref<79x128xi32, #tpu.memory_space<vmem>> -> memref<1x128xi32, #tpu.memory_space<vmem>>
        %dma_wait3A_44 = tpu.memref_squeeze %dma_wait3A_43 : memref<1x128xi32, #tpu.memory_space<vmem>> -> memref<128xi32, #tpu.memory_space<vmem>>
        %dma_wait3A_45 = arith.constant 0 : i32
        %dma_wait3A_46 = arith.constant 0 : i32
        %dma_wait3A_47 = tpu.memref_slice %arg9[%dma_wait3A_45, %dma_wait3A_46] : memref<10240x128xf32, #tpu.memory_space<vmem_shared>> -> memref<10240x128xf32, #tpu.memory_space<vmem_shared>>
        tpu.wait_indirect_dma semaphore(%run_scoped3A : memref<!tpu.dma_semaphore, #tpu.memory_space<semaphore_mem>>) src(%arg8 : memref<128x128xf32, #tpu.memory_space<vmem>>) dst(%dma_wait3A_47 : memref<10240x128xf32, #tpu.memory_space<vmem_shared>>)
        tpu.yield
      }) : () -> ()
    }
    %scan3A_31 = arith.constant 79 : i32
    %barrier3A_32 = arith.constant 0 : index
    tpu.barrier barrier_id(%barrier3A_32)
    %mul3A_33 = arith.constant 640 : i32
    %mul3A_34 = arith.muli %arg1, %mul3A_33 : i32
    %mul3A_35 = arith.constant 640 : i32
    %mul3A_36 = arith.muli %arg1, %mul3A_35 : i32
    "tpu.region"() ({
      %run_scoped3A = tpu.sem_alloc : memref<!tpu.dma_semaphore, #tpu.memory_space<semaphore_mem>>
      %dma_start3A = arith.constant 0 : i32
      %dma_start3A_37 = tpu.memref_slice %arg5[%arg0, %mul3A_36, %dma_start3A] : memref<2x10240x128xf32, #tpu.memory_space<hbm>> -> memref<1x640x128xf32, #tpu.memory_space<hbm>>
      %dma_start3A_38 = tpu.memref_squeeze %dma_start3A_37 : memref<1x640x128xf32, #tpu.memory_space<hbm>> -> memref<640x128xf32, #tpu.memory_space<hbm>>
      %dma_start3A_39 = arith.constant 0 : i32
      %dma_start3A_40 = tpu.memref_slice %arg9[%mul3A_34, %dma_start3A_39] : memref<10240x128xf32, #tpu.memory_space<vmem_shared>> -> memref<640x128xf32, #tpu.memory_space<vmem_shared>>
      tpu.enqueue_dma source(%dma_start3A_40 : memref<640x128xf32, #tpu.memory_space<vmem_shared>>) target(%dma_start3A_38 : memref<640x128xf32, #tpu.memory_space<hbm>>) target_semaphore(%run_scoped3A : memref<!tpu.dma_semaphore, #tpu.memory_space<semaphore_mem>>)
      %dma_wait3A = arith.constant 0 : i32
      %dma_wait3A_41 = tpu.memref_slice %arg5[%arg0, %mul3A_36, %dma_wait3A] : memref<2x10240x128xf32, #tpu.memory_space<hbm>> -> memref<1x640x128xf32, #tpu.memory_space<hbm>>
      %dma_wait3A_42 = tpu.memref_squeeze %dma_wait3A_41 : memref<1x640x128xf32, #tpu.memory_space<hbm>> -> memref<640x128xf32, #tpu.memory_space<hbm>>
      %dma_wait3A_43 = arith.constant 0 : i32
      %dma_wait3A_44 = tpu.memref_slice %arg9[%mul3A_34, %dma_wait3A_43] : memref<10240x128xf32, #tpu.memory_space<vmem_shared>> -> memref<640x128xf32, #tpu.memory_space<vmem_shared>>
      tpu.wait_dma2 semaphore(%run_scoped3A : memref<!tpu.dma_semaphore, #tpu.memory_space<semaphore_mem>>) src(%dma_wait3A_44 : memref<640x128xf32, #tpu.memory_space<vmem_shared>>) dst(%dma_wait3A_42 : memref<640x128xf32, #tpu.memory_space<hbm>>)
      tpu.yield
    }) : () -> ()
    return
  }
}

#map = affine_map<(d0, d1) -> (0, 0)>
#map1 = affine_map<(d0, d1) -> (0, 0, 0)>
module attributes {stable_mosaic.version = 14 : i64} {
  func.func @_agg_body(%arg0: i32, %arg1: i32, %arg2: memref<10000x128xf32, #tpu.memory_space<hbm>>, %arg3: memref<32x79x128xi32, #tpu.memory_space<hbm>>, %arg4: memref<32x79x128xi32, #tpu.memory_space<hbm>>, %arg5: memref<2x10240x128xf32, #tpu.memory_space<hbm>>, %arg6: memref<79x128xi32, #tpu.memory_space<vmem>>, %arg7: memref<79x128xi32, #tpu.memory_space<vmem>>, %arg8: memref<128x128xf32, #tpu.memory_space<vmem>>, %arg9: memref<10240x128xf32, #tpu.memory_space<vmem_shared>>) attributes {dimension_semantics = [#tpu.dimension_semantics<core_parallel>, #tpu.dimension_semantics<subcore_parallel>], iteration_bounds = array<i64: 2, 16>, scalar_prefetch = 0 : i64, scratch_operands = 4 : i64, tpu.core_type = #tpu.core_type<sc_vector_subcore>, window_params = [{transform_indices = #map}, {transform_indices = #map1}, {transform_indices = #map1}, {transform_indices = #map1}]} {
    %mul3A = arith.constant 16 : i32
    %mul3A_0 = arith.muli %arg0, %mul3A : i32
    %add3A = arith.addi %mul3A_0, %arg1 : i32
    "tpu.region"() ({
      %run_scoped3A = tpu.sem_alloc : memref<!tpu.dma_semaphore, #tpu.memory_space<semaphore_mem>>
      %dma_start3A = arith.constant 0 : i32
      %dma_start3A_37 = arith.constant 0 : i32
      %dma_start3A_38 = tpu.memref_slice %arg3[%add3A, %dma_start3A, %dma_start3A_37] : memref<32x79x128xi32, #tpu.memory_space<hbm>> -> memref<1x79x128xi32, #tpu.memory_space<hbm>>
      %dma_start3A_39 = tpu.memref_squeeze %dma_start3A_38 : memref<1x79x128xi32, #tpu.memory_space<hbm>> -> memref<79x128xi32, #tpu.memory_space<hbm>>
      %dma_start3A_40 = arith.constant 0 : i32
      %dma_start3A_41 = arith.constant 0 : i32
      %dma_start3A_42 = tpu.memref_slice %arg3[%add3A, %dma_start3A_40, %dma_start3A_41] : memref<32x79x128xi32, #tpu.memory_space<hbm>> -> memref<1x79x128xi32, #tpu.memory_space<hbm>>
      %dma_start3A_43 = tpu.memref_squeeze %dma_start3A_42 : memref<1x79x128xi32, #tpu.memory_space<hbm>> -> memref<79x128xi32, #tpu.memory_space<hbm>>
      tpu.enqueue_dma source(%dma_start3A_43 : memref<79x128xi32, #tpu.memory_space<hbm>>) target(%arg6 : memref<79x128xi32, #tpu.memory_space<vmem>>) target_semaphore(%run_scoped3A : memref<!tpu.dma_semaphore, #tpu.memory_space<semaphore_mem>>)
      %dma_wait3A = arith.constant 0 : i32
      %dma_wait3A_44 = arith.constant 0 : i32
      %dma_wait3A_45 = tpu.memref_slice %arg3[%add3A, %dma_wait3A, %dma_wait3A_44] : memref<32x79x128xi32, #tpu.memory_space<hbm>> -> memref<1x79x128xi32, #tpu.memory_space<hbm>>
      %dma_wait3A_46 = tpu.memref_squeeze %dma_wait3A_45 : memref<1x79x128xi32, #tpu.memory_space<hbm>> -> memref<79x128xi32, #tpu.memory_space<hbm>>
      %dma_wait3A_47 = arith.constant 0 : i32
      %dma_wait3A_48 = arith.constant 0 : i32
      %dma_wait3A_49 = tpu.memref_slice %arg3[%add3A, %dma_wait3A_47, %dma_wait3A_48] : memref<32x79x128xi32, #tpu.memory_space<hbm>> -> memref<1x79x128xi32, #tpu.memory_space<hbm>>
      %dma_wait3A_50 = tpu.memref_squeeze %dma_wait3A_49 : memref<1x79x128xi32, #tpu.memory_space<hbm>> -> memref<79x128xi32, #tpu.memory_space<hbm>>
      tpu.wait_dma2 semaphore(%run_scoped3A : memref<!tpu.dma_semaphore, #tpu.memory_space<semaphore_mem>>) src(%dma_wait3A_50 : memref<79x128xi32, #tpu.memory_space<hbm>>) dst(%arg6 : memref<79x128xi32, #tpu.memory_space<vmem>>)
      tpu.yield
    }) : () -> ()
    "tpu.region"() ({
      %run_scoped3A = tpu.sem_alloc : memref<!tpu.dma_semaphore, #tpu.memory_space<semaphore_mem>>
      %dma_start3A = arith.constant 0 : i32
      %dma_start3A_37 = arith.constant 0 : i32
      %dma_start3A_38 = tpu.memref_slice %arg4[%add3A, %dma_start3A, %dma_start3A_37] : memref<32x79x128xi32, #tpu.memory_space<hbm>> -> memref<1x79x128xi32, #tpu.memory_space<hbm>>
      %dma_start3A_39 = tpu.memref_squeeze %dma_start3A_38 : memref<1x79x128xi32, #tpu.memory_space<hbm>> -> memref<79x128xi32, #tpu.memory_space<hbm>>
      %dma_start3A_40 = arith.constant 0 : i32
      %dma_start3A_41 = arith.constant 0 : i32
      %dma_start3A_42 = tpu.memref_slice %arg4[%add3A, %dma_start3A_40, %dma_start3A_41] : memref<32x79x128xi32, #tpu.memory_space<hbm>> -> memref<1x79x128xi32, #tpu.memory_space<hbm>>
      %dma_start3A_43 = tpu.memref_squeeze %dma_start3A_42 : memref<1x79x128xi32, #tpu.memory_space<hbm>> -> memref<79x128xi32, #tpu.memory_space<hbm>>
      tpu.enqueue_dma source(%dma_start3A_43 : memref<79x128xi32, #tpu.memory_space<hbm>>) target(%arg7 : memref<79x128xi32, #tpu.memory_space<vmem>>) target_semaphore(%run_scoped3A : memref<!tpu.dma_semaphore, #tpu.memory_space<semaphore_mem>>)
      %dma_wait3A = arith.constant 0 : i32
      %dma_wait3A_44 = arith.constant 0 : i32
      %dma_wait3A_45 = tpu.memref_slice %arg4[%add3A, %dma_wait3A, %dma_wait3A_44] : memref<32x79x128xi32, #tpu.memory_space<hbm>> -> memref<1x79x128xi32, #tpu.memory_space<hbm>>
      %dma_wait3A_46 = tpu.memref_squeeze %dma_wait3A_45 : memref<1x79x128xi32, #tpu.memory_space<hbm>> -> memref<79x128xi32, #tpu.memory_space<hbm>>
      %dma_wait3A_47 = arith.constant 0 : i32
      %dma_wait3A_48 = arith.constant 0 : i32
      %dma_wait3A_49 = tpu.memref_slice %arg4[%add3A, %dma_wait3A_47, %dma_wait3A_48] : memref<32x79x128xi32, #tpu.memory_space<hbm>> -> memref<1x79x128xi32, #tpu.memory_space<hbm>>
      %dma_wait3A_50 = tpu.memref_squeeze %dma_wait3A_49 : memref<1x79x128xi32, #tpu.memory_space<hbm>> -> memref<79x128xi32, #tpu.memory_space<hbm>>
      tpu.wait_dma2 semaphore(%run_scoped3A : memref<!tpu.dma_semaphore, #tpu.memory_space<semaphore_mem>>) src(%dma_wait3A_50 : memref<79x128xi32, #tpu.memory_space<hbm>>) dst(%arg7 : memref<79x128xi32, #tpu.memory_space<vmem>>)
      tpu.yield
    }) : () -> ()
    %scan3A = arith.constant 0 : i32
    %scan3A_1 = arith.constant 0 : i32
    %scan3A_2 = arith.constant 128 : i32
    %scan3A_3 = arith.addi %scan3A_1, %scan3A_2 : i32
    %scan3A_4 = arith.constant 1 : i32
    scf.for %scan3A_37 = %scan3A_1 to %scan3A_3 step %scan3A_4  : i32 {
      %broadcast_in_dim3A = arith.constant 0.000000e+00 : f32
      %broadcast_in_dim3A_38 = vector.broadcast %broadcast_in_dim3A : f32 to vector<16xf32>
      %swap3A = arith.index_cast %scan3A_37 : i32 to index
      %swap3A_39 = arith.constant 0 : index
      %swap3A_40 = tpu.vector_load %arg8[%swap3A, %swap3A_39] {strides = array<i32>} : memref<128x128xf32, #tpu.memory_space<vmem>>, vector<1x16xf32>,
      %swap3A_41 = vector.shape_cast %swap3A_40 : vector<1x16xf32> to vector<16xf32>
      %swap3A_42 = vector.shape_cast %broadcast_in_dim3A_38 : vector<16xf32> to vector<1x16xf32>
      tpu.vector_store %arg8[%swap3A, %swap3A_39], %swap3A_42 {strides = array<i32>} : memref<128x128xf32, #tpu.memory_space<vmem>>, vector<1x16xf32>,
      %broadcast_in_dim3A_43 = arith.constant 0.000000e+00 : f32
      %broadcast_in_dim3A_44 = vector.broadcast %broadcast_in_dim3A_43 : f32 to vector<16xf32>
      %swap3A_45 = arith.index_cast %scan3A_37 : i32 to index
      %swap3A_46 = arith.constant 16 : index
      %swap3A_47 = tpu.vector_load %arg8[%swap3A_45, %swap3A_46] {strides = array<i32>} : memref<128x128xf32, #tpu.memory_space<vmem>>, vector<1x16xf32>,
      %swap3A_48 = vector.shape_cast %swap3A_47 : vector<1x16xf32> to vector<16xf32>
      %swap3A_49 = vector.shape_cast %broadcast_in_dim3A_44 : vector<16xf32> to vector<1x16xf32>
      tpu.vector_store %arg8[%swap3A_45, %swap3A_46], %swap3A_49 {strides = array<i32>} : memref<128x128xf32, #tpu.memory_space<vmem>>, vector<1x16xf32>,
      %broadcast_in_dim3A_50 = arith.constant 0.000000e+00 : f32
      %broadcast_in_dim3A_51 = vector.broadcast %broadcast_in_dim3A_50 : f32 to vector<16xf32>
      %swap3A_52 = arith.index_cast %scan3A_37 : i32 to index
      %swap3A_53 = arith.constant 32 : index
      %swap3A_54 = tpu.vector_load %arg8[%swap3A_52, %swap3A_53] {strides = array<i32>} : memref<128x128xf32, #tpu.memory_space<vmem>>, vector<1x16xf32>,
      %swap3A_55 = vector.shape_cast %swap3A_54 : vector<1x16xf32> to vector<16xf32>
      %swap3A_56 = vector.shape_cast %broadcast_in_dim3A_51 : vector<16xf32> to vector<1x16xf32>
      tpu.vector_store %arg8[%swap3A_52, %swap3A_53], %swap3A_56 {strides = array<i32>} : memref<128x128xf32, #tpu.memory_space<vmem>>, vector<1x16xf32>,
      %broadcast_in_dim3A_57 = arith.constant 0.000000e+00 : f32
      %broadcast_in_dim3A_58 = vector.broadcast %broadcast_in_dim3A_57 : f32 to vector<16xf32>
      %swap3A_59 = arith.index_cast %scan3A_37 : i32 to index
      %swap3A_60 = arith.constant 48 : index
      %swap3A_61 = tpu.vector_load %arg8[%swap3A_59, %swap3A_60] {strides = array<i32>} : memref<128x128xf32, #tpu.memory_space<vmem>>, vector<1x16xf32>,
      %swap3A_62 = vector.shape_cast %swap3A_61 : vector<1x16xf32> to vector<16xf32>
      %swap3A_63 = vector.shape_cast %broadcast_in_dim3A_58 : vector<16xf32> to vector<1x16xf32>
      tpu.vector_store %arg8[%swap3A_59, %swap3A_60], %swap3A_63 {strides = array<i32>} : memref<128x128xf32, #tpu.memory_space<vmem>>, vector<1x16xf32>,
      %broadcast_in_dim3A_64 = arith.constant 0.000000e+00 : f32
      %broadcast_in_dim3A_65 = vector.broadcast %broadcast_in_dim3A_64 : f32 to vector<16xf32>
      %swap3A_66 = arith.index_cast %scan3A_37 : i32 to index
      %swap3A_67 = arith.constant 64 : index
      %swap3A_68 = tpu.vector_load %arg8[%swap3A_66, %swap3A_67] {strides = array<i32>} : memref<128x128xf32, #tpu.memory_space<vmem>>, vector<1x16xf32>,
      %swap3A_69 = vector.shape_cast %swap3A_68 : vector<1x16xf32> to vector<16xf32>
      %swap3A_70 = vector.shape_cast %broadcast_in_dim3A_65 : vector<16xf32> to vector<1x16xf32>
      tpu.vector_store %arg8[%swap3A_66, %swap3A_67], %swap3A_70 {strides = array<i32>} : memref<128x128xf32, #tpu.memory_space<vmem>>, vector<1x16xf32>,
      %broadcast_in_dim3A_71 = arith.constant 0.000000e+00 : f32
      %broadcast_in_dim3A_72 = vector.broadcast %broadcast_in_dim3A_71 : f32 to vector<16xf32>
      %swap3A_73 = arith.index_cast %scan3A_37 : i32 to index
      %swap3A_74 = arith.constant 80 : index
      %swap3A_75 = tpu.vector_load %arg8[%swap3A_73, %swap3A_74] {strides = array<i32>} : memref<128x128xf32, #tpu.memory_space<vmem>>, vector<1x16xf32>,
      %swap3A_76 = vector.shape_cast %swap3A_75 : vector<1x16xf32> to vector<16xf32>
      %swap3A_77 = vector.shape_cast %broadcast_in_dim3A_72 : vector<16xf32> to vector<1x16xf32>
      tpu.vector_store %arg8[%swap3A_73, %swap3A_74], %swap3A_77 {strides = array<i32>} : memref<128x128xf32, #tpu.memory_space<vmem>>, vector<1x16xf32>,
      %broadcast_in_dim3A_78 = arith.constant 0.000000e+00 : f32
      %broadcast_in_dim3A_79 = vector.broadcast %broadcast_in_dim3A_78 : f32 to vector<16xf32>
      %swap3A_80 = arith.index_cast %scan3A_37 : i32 to index
      %swap3A_81 = arith.constant 96 : index
      %swap3A_82 = tpu.vector_load %arg8[%swap3A_80, %swap3A_81] {strides = array<i32>} : memref<128x128xf32, #tpu.memory_space<vmem>>, vector<1x16xf32>,
      %swap3A_83 = vector.shape_cast %swap3A_82 : vector<1x16xf32> to vector<16xf32>
      %swap3A_84 = vector.shape_cast %broadcast_in_dim3A_79 : vector<16xf32> to vector<1x16xf32>
      tpu.vector_store %arg8[%swap3A_80, %swap3A_81], %swap3A_84 {strides = array<i32>} : memref<128x128xf32, #tpu.memory_space<vmem>>, vector<1x16xf32>,
      %broadcast_in_dim3A_85 = arith.constant 0.000000e+00 : f32
      %broadcast_in_dim3A_86 = vector.broadcast %broadcast_in_dim3A_85 : f32 to vector<16xf32>
      %swap3A_87 = arith.index_cast %scan3A_37 : i32 to index
      %swap3A_88 = arith.constant 112 : index
      %swap3A_89 = tpu.vector_load %arg8[%swap3A_87, %swap3A_88] {strides = array<i32>} : memref<128x128xf32, #tpu.memory_space<vmem>>, vector<1x16xf32>,
      %swap3A_90 = vector.shape_cast %swap3A_89 : vector<1x16xf32> to vector<16xf32>
      %swap3A_91 = vector.shape_cast %broadcast_in_dim3A_86 : vector<16xf32> to vector<1x16xf32>
      tpu.vector_store %arg8[%swap3A_87, %swap3A_88], %swap3A_91 {strides = array<i32>} : memref<128x128xf32, #tpu.memory_space<vmem>>, vector<1x16xf32>,
    }
    %scan3A_5 = arith.constant 128 : i32
    %mul3A_6 = arith.constant 640 : i32
    %mul3A_7 = arith.muli %arg1, %mul3A_6 : i32
    %add3A_8 = arith.constant 0 : i32
    %add3A_9 = arith.addi %mul3A_7, %add3A_8 : i32
    "tpu.region"() ({
      %run_scoped3A = tpu.sem_alloc : memref<!tpu.dma_semaphore, #tpu.memory_space<semaphore_mem>>
      %dma_start3A = arith.constant 0 : i32
      %dma_start3A_37 = tpu.memref_slice %arg9[%add3A_9, %dma_start3A] : memref<10240x128xf32, #tpu.memory_space<vmem_shared>> -> memref<128x128xf32, #tpu.memory_space<vmem_shared>>
      %dma_start3A_38 = arith.constant 0 : i32
      %dma_start3A_39 = tpu.memref_slice %arg9[%add3A_9, %dma_start3A_38] : memref<10240x128xf32, #tpu.memory_space<vmem_shared>> -> memref<128x128xf32, #tpu.memory_space<vmem_shared>>
      tpu.enqueue_dma source(%arg8 : memref<128x128xf32, #tpu.memory_space<vmem>>) target(%dma_start3A_39 : memref<128x128xf32, #tpu.memory_space<vmem_shared>>) target_semaphore(%run_scoped3A : memref<!tpu.dma_semaphore, #tpu.memory_space<semaphore_mem>>)
      %dma_wait3A = arith.constant 0 : i32
      %dma_wait3A_40 = tpu.memref_slice %arg9[%add3A_9, %dma_wait3A] : memref<10240x128xf32, #tpu.memory_space<vmem_shared>> -> memref<128x128xf32, #tpu.memory_space<vmem_shared>>
      %dma_wait3A_41 = arith.constant 0 : i32
      %dma_wait3A_42 = tpu.memref_slice %arg9[%add3A_9, %dma_wait3A_41] : memref<10240x128xf32, #tpu.memory_space<vmem_shared>> -> memref<128x128xf32, #tpu.memory_space<vmem_shared>>
      tpu.wait_dma2 semaphore(%run_scoped3A : memref<!tpu.dma_semaphore, #tpu.memory_space<semaphore_mem>>) src(%arg8 : memref<128x128xf32, #tpu.memory_space<vmem>>) dst(%dma_wait3A_42 : memref<128x128xf32, #tpu.memory_space<vmem_shared>>)
      tpu.yield
    }) : () -> ()
    %mul3A_10 = arith.constant 640 : i32
    %mul3A_11 = arith.muli %arg1, %mul3A_10 : i32
    %add3A_12 = arith.constant 128 : i32
    %add3A_13 = arith.addi %mul3A_11, %add3A_12 : i32
    "tpu.region"() ({
      %run_scoped3A = tpu.sem_alloc : memref<!tpu.dma_semaphore, #tpu.memory_space<semaphore_mem>>
      %dma_start3A = arith.constant 0 : i32
      %dma_start3A_37 = tpu.memref_slice %arg9[%add3A_13, %dma_start3A] : memref<10240x128xf32, #tpu.memory_space<vmem_shared>> -> memref<128x128xf32, #tpu.memory_space<vmem_shared>>
      %dma_start3A_38 = arith.constant 0 : i32
      %dma_start3A_39 = tpu.memref_slice %arg9[%add3A_13, %dma_start3A_38] : memref<10240x128xf32, #tpu.memory_space<vmem_shared>> -> memref<128x128xf32, #tpu.memory_space<vmem_shared>>
      tpu.enqueue_dma source(%arg8 : memref<128x128xf32, #tpu.memory_space<vmem>>) target(%dma_start3A_39 : memref<128x128xf32, #tpu.memory_space<vmem_shared>>) target_semaphore(%run_scoped3A : memref<!tpu.dma_semaphore, #tpu.memory_space<semaphore_mem>>)
      %dma_wait3A = arith.constant 0 : i32
      %dma_wait3A_40 = tpu.memref_slice %arg9[%add3A_13, %dma_wait3A] : memref<10240x128xf32, #tpu.memory_space<vmem_shared>> -> memref<128x128xf32, #tpu.memory_space<vmem_shared>>
      %dma_wait3A_41 = arith.constant 0 : i32
      %dma_wait3A_42 = tpu.memref_slice %arg9[%add3A_13, %dma_wait3A_41] : memref<10240x128xf32, #tpu.memory_space<vmem_shared>> -> memref<128x128xf32, #tpu.memory_space<vmem_shared>>
      tpu.wait_dma2 semaphore(%run_scoped3A : memref<!tpu.dma_semaphore, #tpu.memory_space<semaphore_mem>>) src(%arg8 : memref<128x128xf32, #tpu.memory_space<vmem>>) dst(%dma_wait3A_42 : memref<128x128xf32, #tpu.memory_space<vmem_shared>>)
      tpu.yield
    }) : () -> ()
    %mul3A_14 = arith.constant 640 : i32
    %mul3A_15 = arith.muli %arg1, %mul3A_14 : i32
    %add3A_16 = arith.constant 256 : i32
    %add3A_17 = arith.addi %mul3A_15, %add3A_16 : i32
    "tpu.region"() ({
      %run_scoped3A = tpu.sem_alloc : memref<!tpu.dma_semaphore, #tpu.memory_space<semaphore_mem>>
      %dma_start3A = arith.constant 0 : i32
      %dma_start3A_37 = tpu.memref_slice %arg9[%add3A_17, %dma_start3A] : memref<10240x128xf32, #tpu.memory_space<vmem_shared>> -> memref<128x128xf32, #tpu.memory_space<vmem_shared>>
      %dma_start3A_38 = arith.constant 0 : i32
      %dma_start3A_39 = tpu.memref_slice %arg9[%add3A_17, %dma_start3A_38] : memref<10240x128xf32, #tpu.memory_space<vmem_shared>> -> memref<128x128xf32, #tpu.memory_space<vmem_shared>>
      tpu.enqueue_dma source(%arg8 : memref<128x128xf32, #tpu.memory_space<vmem>>) target(%dma_start3A_39 : memref<128x128xf32, #tpu.memory_space<vmem_shared>>) target_semaphore(%run_scoped3A : memref<!tpu.dma_semaphore, #tpu.memory_space<semaphore_mem>>)
      %dma_wait3A = arith.constant 0 : i32
      %dma_wait3A_40 = tpu.memref_slice %arg9[%add3A_17, %dma_wait3A] : memref<10240x128xf32, #tpu.memory_space<vmem_shared>> -> memref<128x128xf32, #tpu.memory_space<vmem_shared>>
      %dma_wait3A_41 = arith.constant 0 : i32
      %dma_wait3A_42 = tpu.memref_slice %arg9[%add3A_17, %dma_wait3A_41] : memref<10240x128xf32, #tpu.memory_space<vmem_shared>> -> memref<128x128xf32, #tpu.memory_space<vmem_shared>>
      tpu.wait_dma2 semaphore(%run_scoped3A : memref<!tpu.dma_semaphore, #tpu.memory_space<semaphore_mem>>) src(%arg8 : memref<128x128xf32, #tpu.memory_space<vmem>>) dst(%dma_wait3A_42 : memref<128x128xf32, #tpu.memory_space<vmem_shared>>)
      tpu.yield
    }) : () -> ()
    %mul3A_18 = arith.constant 640 : i32
    %mul3A_19 = arith.muli %arg1, %mul3A_18 : i32
    %add3A_20 = arith.constant 384 : i32
    %add3A_21 = arith.addi %mul3A_19, %add3A_20 : i32
    "tpu.region"() ({
      %run_scoped3A = tpu.sem_alloc : memref<!tpu.dma_semaphore, #tpu.memory_space<semaphore_mem>>
      %dma_start3A = arith.constant 0 : i32
      %dma_start3A_37 = tpu.memref_slice %arg9[%add3A_21, %dma_start3A] : memref<10240x128xf32, #tpu.memory_space<vmem_shared>> -> memref<128x128xf32, #tpu.memory_space<vmem_shared>>
      %dma_start3A_38 = arith.constant 0 : i32
      %dma_start3A_39 = tpu.memref_slice %arg9[%add3A_21, %dma_start3A_38] : memref<10240x128xf32, #tpu.memory_space<vmem_shared>> -> memref<128x128xf32, #tpu.memory_space<vmem_shared>>
      tpu.enqueue_dma source(%arg8 : memref<128x128xf32, #tpu.memory_space<vmem>>) target(%dma_start3A_39 : memref<128x128xf32, #tpu.memory_space<vmem_shared>>) target_semaphore(%run_scoped3A : memref<!tpu.dma_semaphore, #tpu.memory_space<semaphore_mem>>)
      %dma_wait3A = arith.constant 0 : i32
      %dma_wait3A_40 = tpu.memref_slice %arg9[%add3A_21, %dma_wait3A] : memref<10240x128xf32, #tpu.memory_space<vmem_shared>> -> memref<128x128xf32, #tpu.memory_space<vmem_shared>>
      %dma_wait3A_41 = arith.constant 0 : i32
      %dma_wait3A_42 = tpu.memref_slice %arg9[%add3A_21, %dma_wait3A_41] : memref<10240x128xf32, #tpu.memory_space<vmem_shared>> -> memref<128x128xf32, #tpu.memory_space<vmem_shared>>
      tpu.wait_dma2 semaphore(%run_scoped3A : memref<!tpu.dma_semaphore, #tpu.memory_space<semaphore_mem>>) src(%arg8 : memref<128x128xf32, #tpu.memory_space<vmem>>) dst(%dma_wait3A_42 : memref<128x128xf32, #tpu.memory_space<vmem_shared>>)
      tpu.yield
    }) : () -> ()
    %mul3A_22 = arith.constant 640 : i32
    %mul3A_23 = arith.muli %arg1, %mul3A_22 : i32
    %add3A_24 = arith.constant 512 : i32
    %add3A_25 = arith.addi %mul3A_23, %add3A_24 : i32
    "tpu.region"() ({
      %run_scoped3A = tpu.sem_alloc : memref<!tpu.dma_semaphore, #tpu.memory_space<semaphore_mem>>
      %dma_start3A = arith.constant 0 : i32
      %dma_start3A_37 = tpu.memref_slice %arg9[%add3A_25, %dma_start3A] : memref<10240x128xf32, #tpu.memory_space<vmem_shared>> -> memref<128x128xf32, #tpu.memory_space<vmem_shared>>
      %dma_start3A_38 = arith.constant 0 : i32
      %dma_start3A_39 = tpu.memref_slice %arg9[%add3A_25, %dma_start3A_38] : memref<10240x128xf32, #tpu.memory_space<vmem_shared>> -> memref<128x128xf32, #tpu.memory_space<vmem_shared>>
      tpu.enqueue_dma source(%arg8 : memref<128x128xf32, #tpu.memory_space<vmem>>) target(%dma_start3A_39 : memref<128x128xf32, #tpu.memory_space<vmem_shared>>) target_semaphore(%run_scoped3A : memref<!tpu.dma_semaphore, #tpu.memory_space<semaphore_mem>>)
      %dma_wait3A = arith.constant 0 : i32
      %dma_wait3A_40 = tpu.memref_slice %arg9[%add3A_25, %dma_wait3A] : memref<10240x128xf32, #tpu.memory_space<vmem_shared>> -> memref<128x128xf32, #tpu.memory_space<vmem_shared>>
      %dma_wait3A_41 = arith.constant 0 : i32
      %dma_wait3A_42 = tpu.memref_slice %arg9[%add3A_25, %dma_wait3A_41] : memref<10240x128xf32, #tpu.memory_space<vmem_shared>> -> memref<128x128xf32, #tpu.memory_space<vmem_shared>>
      tpu.wait_dma2 semaphore(%run_scoped3A : memref<!tpu.dma_semaphore, #tpu.memory_space<semaphore_mem>>) src(%arg8 : memref<128x128xf32, #tpu.memory_space<vmem>>) dst(%dma_wait3A_42 : memref<128x128xf32, #tpu.memory_space<vmem_shared>>)
      tpu.yield
    }) : () -> ()
    %barrier3A = arith.constant 0 : index
    tpu.barrier barrier_id(%barrier3A)
    %scan3A_26 = arith.constant 0 : i32
    %scan3A_27 = arith.constant 0 : i32
    %scan3A_28 = arith.constant 79 : i32
    %scan3A_29 = arith.addi %scan3A_27, %scan3A_28 : i32
    %scan3A_30 = arith.constant 1 : i32
    scf.for %scan3A_37 = %scan3A_27 to %scan3A_29 step %scan3A_30  : i32 {
      "tpu.region"() ({
        %run_scoped3A = tpu.sem_alloc : memref<!tpu.dma_semaphore, #tpu.memory_space<semaphore_mem>>
        %dma_start3A = arith.constant 0 : i32
        %dma_start3A_38 = tpu.memref_slice %arg6[%scan3A_37, %dma_start3A] : memref<79x128xi32, #tpu.memory_space<vmem>> -> memref<1x128xi32, #tpu.memory_space<vmem>>
        %dma_start3A_39 = tpu.memref_squeeze %dma_start3A_38 : memref<1x128xi32, #tpu.memory_space<vmem>> -> memref<128xi32, #tpu.memory_space<vmem>>
        %dma_start3A_40 = arith.constant 0 : i32
        %dma_start3A_41 = arith.constant 0 : i32
        %dma_start3A_42 = tpu.memref_slice %arg2[%dma_start3A_40, %dma_start3A_41] : memref<10000x128xf32, #tpu.memory_space<hbm>> -> memref<10000x128xf32, #tpu.memory_space<hbm>>
        tpu.enqueue_indirect_dma source(%dma_start3A_42 : memref<10000x128xf32, #tpu.memory_space<hbm>>) target(%arg8 : memref<128x128xf32, #tpu.memory_space<vmem>>) offsets(%dma_start3A_39 : memref<128xi32, #tpu.memory_space<vmem>>) semaphore(%run_scoped3A : memref<!tpu.dma_semaphore, #tpu.memory_space<semaphore_mem>>)
        %dma_wait3A = arith.constant 0 : i32
        %dma_wait3A_43 = tpu.memref_slice %arg6[%scan3A_37, %dma_wait3A] : memref<79x128xi32, #tpu.memory_space<vmem>> -> memref<1x128xi32, #tpu.memory_space<vmem>>
        %dma_wait3A_44 = tpu.memref_squeeze %dma_wait3A_43 : memref<1x128xi32, #tpu.memory_space<vmem>> -> memref<128xi32, #tpu.memory_space<vmem>>
        %dma_wait3A_45 = arith.constant 0 : i32
        %dma_wait3A_46 = arith.constant 0 : i32
        %dma_wait3A_47 = tpu.memref_slice %arg2[%dma_wait3A_45, %dma_wait3A_46] : memref<10000x128xf32, #tpu.memory_space<hbm>> -> memref<10000x128xf32, #tpu.memory_space<hbm>>
        tpu.wait_indirect_dma semaphore(%run_scoped3A : memref<!tpu.dma_semaphore, #tpu.memory_space<semaphore_mem>>) src(%dma_wait3A_47 : memref<10000x128xf32, #tpu.memory_space<hbm>>) dst(%arg8 : memref<128x128xf32, #tpu.memory_space<vmem>>)
        tpu.yield
      }) : () -> ()
      "tpu.region"() ({
        %run_scoped3A = tpu.sem_alloc : memref<!tpu.dma_semaphore, #tpu.memory_space<semaphore_mem>>
        %dma_start3A = arith.constant 0 : i32
        %dma_start3A_38 = tpu.memref_slice %arg7[%scan3A_37, %dma_start3A] : memref<79x128xi32, #tpu.memory_space<vmem>> -> memref<1x128xi32, #tpu.memory_space<vmem>>
        %dma_start3A_39 = tpu.memref_squeeze %dma_start3A_38 : memref<1x128xi32, #tpu.memory_space<vmem>> -> memref<128xi32, #tpu.memory_space<vmem>>
        %dma_start3A_40 = arith.constant 0 : i32
        %dma_start3A_41 = arith.constant 0 : i32
        %dma_start3A_42 = tpu.memref_slice %arg9[%dma_start3A_40, %dma_start3A_41] : memref<10240x128xf32, #tpu.memory_space<vmem_shared>> -> memref<10240x128xf32, #tpu.memory_space<vmem_shared>>
        tpu.enqueue_indirect_dma source(%arg8 : memref<128x128xf32, #tpu.memory_space<vmem>>) target(%dma_start3A_42 : memref<10240x128xf32, #tpu.memory_space<vmem_shared>>) offsets(%dma_start3A_39 : memref<128xi32, #tpu.memory_space<vmem>>) semaphore(%run_scoped3A : memref<!tpu.dma_semaphore, #tpu.memory_space<semaphore_mem>>) {add = true}
        %dma_wait3A = arith.constant 0 : i32
        %dma_wait3A_43 = tpu.memref_slice %arg7[%scan3A_37, %dma_wait3A] : memref<79x128xi32, #tpu.memory_space<vmem>> -> memref<1x128xi32, #tpu.memory_space<vmem>>
        %dma_wait3A_44 = tpu.memref_squeeze %dma_wait3A_43 : memref<1x128xi32, #tpu.memory_space<vmem>> -> memref<128xi32, #tpu.memory_space<vmem>>
        %dma_wait3A_45 = arith.constant 0 : i32
        %dma_wait3A_46 = arith.constant 0 : i32
        %dma_wait3A_47 = tpu.memref_slice %arg9[%dma_wait3A_45, %dma_wait3A_46] : memref<10240x128xf32, #tpu.memory_space<vmem_shared>> -> memref<10240x128xf32, #tpu.memory_space<vmem_shared>>
        tpu.wait_indirect_dma semaphore(%run_scoped3A : memref<!tpu.dma_semaphore, #tpu.memory_space<semaphore_mem>>) src(%arg8 : memref<128x128xf32, #tpu.memory_space<vmem>>) dst(%dma_wait3A_47 : memref<10240x128xf32, #tpu.memory_space<vmem_shared>>)
        tpu.yield
      }) : () -> ()
    }
    %scan3A_31 = arith.constant 79 : i32
    %barrier3A_32 = arith.constant 0 : index
    tpu.barrier barrier_id(%barrier3A_32)
    %mul3A_33 = arith.constant 640 : i32
    %mul3A_34 = arith.muli %arg1, %mul3A_33 : i32
    %mul3A_35 = arith.constant 640 : i32
    %mul3A_36 = arith.muli %arg1, %mul3A_35 : i32
    "tpu.region"() ({
      %run_scoped3A = tpu.sem_alloc : memref<!tpu.dma_semaphore, #tpu.memory_space<semaphore_mem>>
      %dma_start3A = arith.constant 0 : i32
      %dma_start3A_37 = tpu.memref_slice %arg5[%arg0, %mul3A_36, %dma_start3A] : memref<2x10240x128xf32, #tpu.memory_space<hbm>> -> memref<1x640x128xf32, #tpu.memory_space<hbm>>
      %dma_start3A_38 = tpu.memref_squeeze %dma_start3A_37 : memref<1x640x128xf32, #tpu.memory_space<hbm>> -> memref<640x128xf32, #tpu.memory_space<hbm>>
      %dma_start3A_39 = arith.constant 0 : i32
      %dma_start3A_40 = tpu.memref_slice %arg9[%mul3A_34, %dma_start3A_39] : memref<10240x128xf32, #tpu.memory_space<vmem_shared>> -> memref<640x128xf32, #tpu.memory_space<vmem_shared>>
      tpu.enqueue_dma source(%dma_start3A_40 : memref<640x128xf32, #tpu.memory_space<vmem_shared>>) target(%dma_start3A_38 : memref<640x128xf32, #tpu.memory_space<hbm>>) target_semaphore(%run_scoped3A : memref<!tpu.dma_semaphore, #tpu.memory_space<semaphore_mem>>)
      %dma_wait3A = arith.constant 0 : i32
      %dma_wait3A_41 = tpu.memref_slice %arg5[%arg0, %mul3A_36, %dma_wait3A] : memref<2x10240x128xf32, #tpu.memory_space<hbm>> -> memref<1x640x128xf32, #tpu.memory_space<hbm>>
      %dma_wait3A_42 = tpu.memref_squeeze %dma_wait3A_41 : memref<1x640x128xf32, #tpu.memory_space<hbm>> -> memref<640x128xf32, #tpu.memory_space<hbm>>
      %dma_wait3A_43 = arith.constant 0 : i32
      %dma_wait3A_44 = tpu.memref_slice %arg9[%mul3A_34, %dma_wait3A_43] : memref<10240x128xf32, #tpu.memory_space<vmem_shared>> -> memref<640x128xf32, #tpu.memory_space<vmem_shared>>
      tpu.wait_dma2 semaphore(%run_scoped3A : memref<!tpu.dma_semaphore, #tpu.memory_space<semaphore_mem>>) src(%dma_wait3A_44 : memref<640x128xf32, #tpu.memory_space<vmem_shared>>) dst(%dma_wait3A_42 : memref<640x128xf32, #tpu.memory_space<hbm>>)
      tpu.yield
    }) : () -> ()
    return
  }
}

module attributes {stable_mosaic.version = 14 : i64} {
  func.func @_b1_body(%arg0: i32, %arg1: memref<2000x128xf32, #tpu.memory_space<vmem>>, %arg2: memref<128x128xf32, #tpu.memory_space<vmem>>, %arg3: memref<2x2000x1xf32, #tpu.memory_space<vmem>>, %arg4: memref<2000x128xf32, #tpu.memory_space<vmem>>, %arg5: memref<2000x1xf32, #tpu.memory_space<vmem>>) attributes {dimension_semantics = [#tpu.dimension_semantics<arbitrary>], iteration_bounds = array<i64: 5>, scalar_prefetch = 0 : i64, scratch_operands = 0 : i64, tpu.core_type = #tpu.core_type<tc>, window_params = [{transform_indices = @transform_0, window_bounds = array<i64: 2000, 128>}, {pipeline_mode = #tpu.pipeline_mode<synchronous>, transform_indices = @transform_1, window_bounds = array<i64: 128, 128>}, {transform_indices = @transform_2, window_bounds = array<i64: 2, 2000, 1>}, {transform_indices = @transform_3, window_bounds = array<i64: 2000, 128>}, {transform_indices = @transform_4, window_bounds = array<i64: 2000, 1>}]} {
    %get3A = arith.constant 0 : index
    %get3A_0 = arith.constant 0 : index
    %get3A_1 = arith.constant 0 : index
    %get3A_2 = vector.load %arg3[%get3A, %get3A_0, %get3A_1] : memref<2x2000x1xf32, #tpu.memory_space<vmem>>, vector<1x2000x1xf32>
    %get3A_3 = vector.shape_cast %get3A_2 : vector<1x2000x1xf32> to vector<2000x1xf32>
    %get3A_4 = arith.constant 1 : index
    %get3A_5 = arith.constant 0 : index
    %get3A_6 = arith.constant 0 : index
    %get3A_7 = vector.load %arg3[%get3A_4, %get3A_5, %get3A_6] : memref<2x2000x1xf32, #tpu.memory_space<vmem>>, vector<1x2000x1xf32>
    %get3A_8 = vector.shape_cast %get3A_7 : vector<1x2000x1xf32> to vector<2000x1xf32>
    %add3A = arith.addf %get3A_3, %get3A_8 : vector<2000x1xf32>
    %add3A_9 = arith.constant 1.000000e+00 : f32
    %add3A_10 = vector.broadcast %add3A_9 : f32 to vector<2000x1xf32>
    %add3A_11 = arith.addf %add3A, %add3A_10 : vector<2000x1xf32>
    %rsqrt3A = math.rsqrt %add3A_11 : vector<2000x1xf32>
    %swap3A = arith.constant 0 : index
    %swap3A_12 = arith.constant 0 : index
    %swap3A_13 = vector.load %arg5[%swap3A, %swap3A_12] : memref<2000x1xf32, #tpu.memory_space<vmem>>, vector<2000x1xf32>
    tpu.vector_store %arg5[%swap3A, %swap3A_12], %rsqrt3A {strides = array<i32>} : memref<2000x1xf32, #tpu.memory_space<vmem>>, vector<2000x1xf32>,
    %get3A_14 = arith.constant 0 : index
    %get3A_15 = arith.constant 0 : index
    %get3A_16 = vector.load %arg1[%get3A_14, %get3A_15] : memref<2000x128xf32, #tpu.memory_space<vmem>>, vector<2000x128xf32>
    %get3A_17 = arith.constant 0 : index
    %get3A_18 = arith.constant 0 : index
    %get3A_19 = vector.load %arg2[%get3A_17, %get3A_18] : memref<128x128xf32, #tpu.memory_space<vmem>>, vector<128x128xf32>
    %dot_general3A = arith.constant dense<0.000000e+00> : vector<2000x128xf32>
    %dot_general3A_20 = tpu.matmul %get3A_16, %get3A_19, %dot_general3A {dimension_numbers = #tpu.dot_dimension_numbers<[1], [0], [0], [1], [0, 0, 1, 1], [], []>, transpose_lhs_hint = false} : vector<2000x128xf32>, vector<128x128xf32>, vector<2000x128xf32> -> vector<2000x128xf32>
    %mul3A = vector.broadcast %rsqrt3A : vector<2000x1xf32> to vector<2000x128xf32>
    %mul3A_21 = arith.mulf %dot_general3A_20, %mul3A : vector<2000x128xf32>
    %swap3A_22 = arith.constant 0 : index
    %swap3A_23 = arith.constant 0 : index
    %swap3A_24 = vector.load %arg4[%swap3A_22, %swap3A_23] : memref<2000x128xf32, #tpu.memory_space<vmem>>, vector<2000x128xf32>
    tpu.vector_store %arg4[%swap3A_22, %swap3A_23], %mul3A_21 {strides = array<i32>} : memref<2000x128xf32, #tpu.memory_space<vmem>>, vector<2000x128xf32>,
    return
  }
  func.func @transform_0(%arg0: i32) -> (i32, i32) {
    %c0_i32 = arith.constant 0 : i32
    %c0_i32_0 = arith.constant 0 : i32
    return %arg0, %c0_i32 : i32, i32
  }
  func.func @transform_1(%arg0: i32) -> (i32, i32) {
    %c0_i32 = arith.constant 0 : i32
    %c0_i32_0 = arith.constant 0 : i32
    %c0_i32_1 = arith.constant 0 : i32
    return %c0_i32, %c0_i32_0 : i32, i32
  }
  func.func @transform_2(%arg0: i32) -> (i32, i32, i32) {
    %c0_i32 = arith.constant 0 : i32
    %c0_i32_0 = arith.constant 0 : i32
    %c0_i32_1 = arith.constant 0 : i32
    return %c0_i32, %arg0, %c0_i32_0 : i32, i32, i32
  }
  func.func @transform_3(%arg0: i32) -> (i32, i32) {
    %c0_i32 = arith.constant 0 : i32
    %c0_i32_0 = arith.constant 0 : i32
    return %arg0, %c0_i32 : i32, i32
  }
  func.func @transform_4(%arg0: i32) -> (i32, i32) {
    %c0_i32 = arith.constant 0 : i32
    %c0_i32_0 = arith.constant 0 : i32
    return %arg0, %c0_i32 : i32, i32
  }
}

module attributes {stable_mosaic.version = 14 : i64} {
  func.func @_b2_body(%arg0: i32, %arg1: memref<2x2000x128xf32, #tpu.memory_space<vmem>>, %arg2: memref<2000x128xf32, #tpu.memory_space<vmem>>, %arg3: memref<2000x1xf32, #tpu.memory_space<vmem>>, %arg4: memref<1x128xf32, #tpu.memory_space<vmem>>, %arg5: memref<128x128xf32, #tpu.memory_space<vmem>>, %arg6: memref<2000x128xf32, #tpu.memory_space<vmem>>) attributes {dimension_semantics = [#tpu.dimension_semantics<arbitrary>], iteration_bounds = array<i64: 5>, scalar_prefetch = 0 : i64, scratch_operands = 0 : i64, tpu.core_type = #tpu.core_type<tc>, window_params = [{transform_indices = @transform_0, window_bounds = array<i64: 2, 2000, 128>}, {transform_indices = @transform_1, window_bounds = array<i64: 2000, 128>}, {transform_indices = @transform_2, window_bounds = array<i64: 2000, 1>}, {pipeline_mode = #tpu.pipeline_mode<synchronous>, transform_indices = @transform_3, window_bounds = array<i64: 1, 128>}, {pipeline_mode = #tpu.pipeline_mode<synchronous>, transform_indices = @transform_4, window_bounds = array<i64: 128, 128>}, {transform_indices = @transform_5, window_bounds = array<i64: 2000, 128>}]} {
    %get3A = arith.constant 0 : index
    %get3A_0 = arith.constant 0 : index
    %get3A_1 = arith.constant 0 : index
    %get3A_2 = vector.load %arg1[%get3A, %get3A_0, %get3A_1] : memref<2x2000x128xf32, #tpu.memory_space<vmem>>, vector<1x2000x128xf32>
    %get3A_3 = vector.shape_cast %get3A_2 : vector<1x2000x128xf32> to vector<2000x128xf32>
    %get3A_4 = arith.constant 1 : index
    %get3A_5 = arith.constant 0 : index
    %get3A_6 = arith.constant 0 : index
    %get3A_7 = vector.load %arg1[%get3A_4, %get3A_5, %get3A_6] : memref<2x2000x128xf32, #tpu.memory_space<vmem>>, vector<1x2000x128xf32>
    %get3A_8 = vector.shape_cast %get3A_7 : vector<1x2000x128xf32> to vector<2000x128xf32>
    %add3A = arith.addf %get3A_3, %get3A_8 : vector<2000x128xf32>
    %get3A_9 = arith.constant 0 : index
    %get3A_10 = arith.constant 0 : index
    %get3A_11 = vector.load %arg2[%get3A_9, %get3A_10] : memref<2000x128xf32, #tpu.memory_space<vmem>>, vector<2000x128xf32>
    %add3A_12 = arith.addf %add3A, %get3A_11 : vector<2000x128xf32>
    %get3A_13 = arith.constant 0 : index
    %get3A_14 = arith.constant 0 : index
    %get3A_15 = vector.load %arg3[%get3A_13, %get3A_14] : memref<2000x1xf32, #tpu.memory_space<vmem>>, vector<2000x1xf32>
    %mul3A = vector.broadcast %get3A_15 : vector<2000x1xf32> to vector<2000x128xf32>
    %mul3A_16 = arith.mulf %mul3A, %add3A_12 : vector<2000x128xf32>
    %get3A_17 = arith.constant 0 : index
    %get3A_18 = arith.constant 0 : index
    %get3A_19 = vector.load %arg4[%get3A_17, %get3A_18] : memref<1x128xf32, #tpu.memory_space<vmem>>, vector<1x128xf32>
    %add3A_20 = vector.broadcast %get3A_19 : vector<1x128xf32> to vector<2000x128xf32>
    %add3A_21 = arith.addf %mul3A_16, %add3A_20 : vector<2000x128xf32>
    %max3A = arith.constant 0.000000e+00 : f32
    %max3A_22 = vector.broadcast %max3A : f32 to vector<2000x128xf32>
    %max3A_23 = arith.maximumf %add3A_21, %max3A_22 : vector<2000x128xf32>
    %get3A_24 = arith.constant 0 : index
    %get3A_25 = arith.constant 0 : index
    %get3A_26 = vector.load %arg5[%get3A_24, %get3A_25] : memref<128x128xf32, #tpu.memory_space<vmem>>, vector<128x128xf32>
    %dot_general3A = arith.constant dense<0.000000e+00> : vector<2000x128xf32>
    %dot_general3A_27 = tpu.matmul %max3A_23, %get3A_26, %dot_general3A {dimension_numbers = #tpu.dot_dimension_numbers<[1], [0], [0], [1], [0, 0, 1, 1], [], []>, transpose_lhs_hint = false} : vector<2000x128xf32>, vector<128x128xf32>, vector<2000x128xf32> -> vector<2000x128xf32>
    %get3A_28 = arith.constant 0 : index
    %get3A_29 = arith.constant 0 : index
    %get3A_30 = vector.load %arg3[%get3A_28, %get3A_29] : memref<2000x1xf32, #tpu.memory_space<vmem>>, vector<2000x1xf32>
    %mul3A_31 = vector.broadcast %get3A_30 : vector<2000x1xf32> to vector<2000x128xf32>
    %mul3A_32 = arith.mulf %dot_general3A_27, %mul3A_31 : vector<2000x128xf32>
    %swap3A = arith.constant 0 : index
    %swap3A_33 = arith.constant 0 : index
    %swap3A_34 = vector.load %arg6[%swap3A, %swap3A_33] : memref<2000x128xf32, #tpu.memory_space<vmem>>, vector<2000x128xf32>
    tpu.vector_store %arg6[%swap3A, %swap3A_33], %mul3A_32 {strides = array<i32>} : memref<2000x128xf32, #tpu.memory_space<vmem>>, vector<2000x128xf32>,
    return
  }
  func.func @transform_0(%arg0: i32) -> (i32, i32, i32) {
    %c0_i32 = arith.constant 0 : i32
    %c0_i32_0 = arith.constant 0 : i32
    %c0_i32_1 = arith.constant 0 : i32
    return %c0_i32, %arg0, %c0_i32_0 : i32, i32, i32
  }
  func.func @transform_1(%arg0: i32) -> (i32, i32) {
    %c0_i32 = arith.constant 0 : i32
    %c0_i32_0 = arith.constant 0 : i32
    return %arg0, %c0_i32 : i32, i32
  }
  func.func @transform_2(%arg0: i32) -> (i32, i32) {
    %c0_i32 = arith.constant 0 : i32
    %c0_i32_0 = arith.constant 0 : i32
    return %arg0, %c0_i32 : i32, i32
  }
  func.func @transform_3(%arg0: i32) -> (i32, i32) {
    %c0_i32 = arith.constant 0 : i32
    %c0_i32_0 = arith.constant 0 : i32
    %c0_i32_1 = arith.constant 0 : i32
    return %c0_i32, %c0_i32_0 : i32, i32
  }
  func.func @transform_4(%arg0: i32) -> (i32, i32) {
    %c0_i32 = arith.constant 0 : i32
    %c0_i32_0 = arith.constant 0 : i32
    %c0_i32_1 = arith.constant 0 : i32
    return %c0_i32, %c0_i32_0 : i32, i32
  }
  func.func @transform_5(%arg0: i32) -> (i32, i32) {
    %c0_i32 = arith.constant 0 : i32
    %c0_i32_0 = arith.constant 0 : i32
    return %arg0, %c0_i32 : i32, i32
  }
}

module attributes {stable_mosaic.version = 14 : i64} {
  func.func @_b3_body(%arg0: i32, %arg1: memref<2x2000x128xf32, #tpu.memory_space<vmem>>, %arg2: memref<2000x128xf32, #tpu.memory_space<vmem>>, %arg3: memref<2000x1xf32, #tpu.memory_space<vmem>>, %arg4: memref<1x128xf32, #tpu.memory_space<vmem>>, %arg5: memref<128x64xf32, #tpu.memory_space<vmem>>, %arg6: memref<1x64xf32, #tpu.memory_space<vmem>>, %arg7: memref<2000x64xf32, #tpu.memory_space<vmem>>) attributes {dimension_semantics = [#tpu.dimension_semantics<arbitrary>], iteration_bounds = array<i64: 5>, scalar_prefetch = 0 : i64, scratch_operands = 0 : i64, tpu.core_type = #tpu.core_type<tc>, window_params = [{transform_indices = @transform_0, window_bounds = array<i64: 2, 2000, 128>}, {transform_indices = @transform_1, window_bounds = array<i64: 2000, 128>}, {transform_indices = @transform_2, window_bounds = array<i64: 2000, 1>}, {pipeline_mode = #tpu.pipeline_mode<synchronous>, transform_indices = @transform_3, window_bounds = array<i64: 1, 128>}, {pipeline_mode = #tpu.pipeline_mode<synchronous>, transform_indices = @transform_4, window_bounds = array<i64: 128, 64>}, {pipeline_mode = #tpu.pipeline_mode<synchronous>, transform_indices = @transform_5, window_bounds = array<i64: 1, 64>}, {transform_indices = @transform_6, window_bounds = array<i64: 2000, 64>}]} {
    %get3A = arith.constant 0 : index
    %get3A_0 = arith.constant 0 : index
    %get3A_1 = arith.constant 0 : index
    %get3A_2 = vector.load %arg1[%get3A, %get3A_0, %get3A_1] : memref<2x2000x128xf32, #tpu.memory_space<vmem>>, vector<1x2000x128xf32>
    %get3A_3 = vector.shape_cast %get3A_2 : vector<1x2000x128xf32> to vector<2000x128xf32>
    %get3A_4 = arith.constant 1 : index
    %get3A_5 = arith.constant 0 : index
    %get3A_6 = arith.constant 0 : index
    %get3A_7 = vector.load %arg1[%get3A_4, %get3A_5, %get3A_6] : memref<2x2000x128xf32, #tpu.memory_space<vmem>>, vector<1x2000x128xf32>
    %get3A_8 = vector.shape_cast %get3A_7 : vector<1x2000x128xf32> to vector<2000x128xf32>
    %add3A = arith.addf %get3A_3, %get3A_8 : vector<2000x128xf32>
    %get3A_9 = arith.constant 0 : index
    %get3A_10 = arith.constant 0 : index
    %get3A_11 = vector.load %arg2[%get3A_9, %get3A_10] : memref<2000x128xf32, #tpu.memory_space<vmem>>, vector<2000x128xf32>
    %add3A_12 = arith.addf %add3A, %get3A_11 : vector<2000x128xf32>
    %get3A_13 = arith.constant 0 : index
    %get3A_14 = arith.constant 0 : index
    %get3A_15 = vector.load %arg3[%get3A_13, %get3A_14] : memref<2000x1xf32, #tpu.memory_space<vmem>>, vector<2000x1xf32>
    %mul3A = vector.broadcast %get3A_15 : vector<2000x1xf32> to vector<2000x128xf32>
    %mul3A_16 = arith.mulf %mul3A, %add3A_12 : vector<2000x128xf32>
    %get3A_17 = arith.constant 0 : index
    %get3A_18 = arith.constant 0 : index
    %get3A_19 = vector.load %arg4[%get3A_17, %get3A_18] : memref<1x128xf32, #tpu.memory_space<vmem>>, vector<1x128xf32>
    %add3A_20 = vector.broadcast %get3A_19 : vector<1x128xf32> to vector<2000x128xf32>
    %add3A_21 = arith.addf %mul3A_16, %add3A_20 : vector<2000x128xf32>
    %max3A = arith.constant 0.000000e+00 : f32
    %max3A_22 = vector.broadcast %max3A : f32 to vector<2000x128xf32>
    %max3A_23 = arith.maximumf %add3A_21, %max3A_22 : vector<2000x128xf32>
    %get3A_24 = arith.constant 0 : index
    %get3A_25 = arith.constant 0 : index
    %get3A_26 = vector.load %arg5[%get3A_24, %get3A_25] : memref<128x64xf32, #tpu.memory_space<vmem>>, vector<128x64xf32>
    %dot_general3A = arith.constant dense<0.000000e+00> : vector<2000x64xf32>
    %dot_general3A_27 = tpu.matmul %max3A_23, %get3A_26, %dot_general3A {dimension_numbers = #tpu.dot_dimension_numbers<[1], [0], [0], [1], [0, 0, 1, 1], [], []>, transpose_lhs_hint = false} : vector<2000x128xf32>, vector<128x64xf32>, vector<2000x64xf32> -> vector<2000x64xf32>
    %get3A_28 = arith.constant 0 : index
    %get3A_29 = arith.constant 0 : index
    %get3A_30 = vector.load %arg6[%get3A_28, %get3A_29] : memref<1x64xf32, #tpu.memory_space<vmem>>, vector<1x64xf32>
    %add3A_31 = vector.broadcast %get3A_30 : vector<1x64xf32> to vector<2000x64xf32>
    %add3A_32 = arith.addf %dot_general3A_27, %add3A_31 : vector<2000x64xf32>
    %swap3A = arith.constant 0 : index
    %swap3A_33 = arith.constant 0 : index
    %swap3A_34 = vector.load %arg7[%swap3A, %swap3A_33] : memref<2000x64xf32, #tpu.memory_space<vmem>>, vector<2000x64xf32>
    tpu.vector_store %arg7[%swap3A, %swap3A_33], %add3A_32 {strides = array<i32>} : memref<2000x64xf32, #tpu.memory_space<vmem>>, vector<2000x64xf32>,
    return
  }
  func.func @transform_0(%arg0: i32) -> (i32, i32, i32) {
    %c0_i32 = arith.constant 0 : i32
    %c0_i32_0 = arith.constant 0 : i32
    %c0_i32_1 = arith.constant 0 : i32
    return %c0_i32, %arg0, %c0_i32_0 : i32, i32, i32
  }
  func.func @transform_1(%arg0: i32) -> (i32, i32) {
    %c0_i32 = arith.constant 0 : i32
    %c0_i32_0 = arith.constant 0 : i32
    return %arg0, %c0_i32 : i32, i32
  }
  func.func @transform_2(%arg0: i32) -> (i32, i32) {
    %c0_i32 = arith.constant 0 : i32
    %c0_i32_0 = arith.constant 0 : i32
    return %arg0, %c0_i32 : i32, i32
  }
  func.func @transform_3(%arg0: i32) -> (i32, i32) {
    %c0_i32 = arith.constant 0 : i32
    %c0_i32_0 = arith.constant 0 : i32
    %c0_i32_1 = arith.constant 0 : i32
    return %c0_i32, %c0_i32_0 : i32, i32
  }
  func.func @transform_4(%arg0: i32) -> (i32, i32) {
    %c0_i32 = arith.constant 0 : i32
    %c0_i32_0 = arith.constant 0 : i32
    %c0_i32_1 = arith.constant 0 : i32
    return %c0_i32, %c0_i32_0 : i32, i32
  }
  func.func @transform_5(%arg0: i32) -> (i32, i32) {
    %c0_i32 = arith.constant 0 : i32
    %c0_i32_0 = arith.constant 0 : i32
    %c0_i32_1 = arith.constant 0 : i32
    return %c0_i32, %c0_i32_0 : i32, i32
  }
  func.func @transform_6(%arg0: i32) -> (i32, i32) {
    %c0_i32 = arith.constant 0 : i32
    %c0_i32_0 = arith.constant 0 : i32
    return %arg0, %c0_i32 : i32, i32
  }
}

</mosaic_0001>

<sc_bundles>
// kernel: kernel.11.cloned.1.call-start
scs
__scs_entry_jumppad:
0x0: {  	(pc) =	sbr.rel $0x88, $3  }
0x1: {  	(tag) =	ssettag $0x0;
	lr =	simm.s32 $0x1  }
0x2: {  	[smem:$0x3F99] =	sst lr;
	_ =	strace $0xD0000000  }
0x3: {  	_ = 	snop  }
0x4: {  	_ = 	snop  }
0x5: {  	_ = 	snop  }
0x6: {  	_ = 	snop  }
0x7: {  	_ = 	snop  }
__scs_overlays_trampoline_lowered:
0x8: {  	[smem:$0x3FA8] =	sst s0  }
0x9: {  	[smem:$0x3FA9] =	sst s1  }
0xa: {  	[smem:$0x3FAA] =	sst s2  }
0xb: {  	[smem:$0x3FAB] =	sst s3  }
0xc: {  	[smem:$0x3FAC] =	sst s4  }
0xd: {  	[smem:$0x3FAD] =	sst s5  }
0xe: {  	[smem:$0x3FAE] =	sst s6  }
0xf: {  	[smem:$0x3FAF] =	sst s7  }
0x10: {  	[smem:$0x3FB0] =	sst s8  }
0x11: {  	[smem:$0x3FB1] =	sst s9;
	s0 =	simm.s32 @!p0 $0x0  }
0x12: {  	s1 =	sld [smem:$0x3F97];
	s0 =	simm.s32 @p0 $0x1  }
0x13: {  	[smem:$0x3FB2] =	sst s0;
	s0 =	simm.s32 @!p1 $0x0  }
0x14: {  	s2 =	sld [smem:$0x3F96];
	s0 =	simm.s32 @p1 $0x1  }
0x15: {  	[smem:$0x3FB3] =	sst s0;
	s0 =	simm.s32 @!p2 $0x0  }
0x16: {  	s3 =	sld [smem:$0x3FDB];
	s0 =	simm.s32 @p2 $0x1  }
0x17: {  	s4 =	simm.s32 $0x1BF5;
	[smem:$0x3FB5] =	sst s0  }
0x18: {  	s0 =	sld [smem:$0x3F98];
	_ =	swait.ge [sflag:s4], $0x0  }
0x19: {  	s7 =	sld [smem:$0x3F99]  }
0x1a: {  	s8 =	sadd.s32 $0xFFFFE003, lr  }
0x1b: {  	s9 =	sadd.s32 $0xFFFFFEF7, lr;
	s5 =	simm.s32 $0xFFFFFFFF;
	p2 =	slt.u32 s8, $0xFFFFF086  }
0x1c: {  	p1 =	slt.u32 s9, $0xF7A;
	s5 =	simm.s32 @!p2 $0x0  }
0x1d: {  	s5 =	simm.s32 @p1 $0x1;
	p0 =	seq.s32 s7, s2  }
0x1e: {  	s7 =	smul.u32 @!p0 $0xF7A, s2;
	p2 =	seq.s32 @!p0 s5, $0x0  }
0x1f: {  	s9 =	smul.u32 $0xF7A, s1;
	s8 =	simm.s32 @!p0 $0x1BF5;
	p2 =	por !p2, p0  }
0x20: {  	[sflag:s8] =	ssyncset.s32 @!p0 $0xFFFFF086;
	s6 =	sadd.s32 @!p0 s3, s7;
	s7 =	simm.s32 @!p0 $0x108  }
0x21: {  	s3 =	sadd.s32 s3, s9;
	s6 =	sadd.s32 @!p0 $0x88, s6;
	s7 =	simm.s32 @p2 $0x1082  }
0x22: {  	[simem:s7], [sflag:s8] =	dma.local @!p0 [hbm:s6], $0xF7A  }
0x23: {  	s9 =	sor.u32 $0xD0000000, s2;
	s6 =	simm.s32 $0x108;
	_ =	swait.ge @!p0 [sflag:s8], $0x0  }
0x24: {  	s3 =	sadd.s32 $0x88, s3;
	s6 =	simm.s32 @!p1 $0x1082;
	[sflag:s4] =	ssyncset.s32 $0xFFFFF086  }
0x25: {  	[simem:s6], [sflag:s4] =	dma.local [hbm:s3], $0xF7A  }
0x26: {  	[smem:$0x3F99] =	sst s1;
	(tag) =	ssettag s2;
	_ =	strace s9  }
0x27: {  	s1 =	sld [smem:$0x3FA9]  }
0x28: {  	s2 =	sld [smem:$0x3FAA]  }
0x29: {  	s4 =	sld [smem:$0x3FAC]  }
0x2a: {  	p0 =	seq.s32 s5, $0x0;
	s5 =	sld [smem:$0x3FAD]  }
0x2b: {  	s6 =	sld [smem:$0x3FAE]  }
0x2c: {  	s7 =	sld [smem:$0x3FAF]  }
0x2d: {  	s3 =	simm.s32 $0x108;
	s8 =	sld [smem:$0x3FB0]  }
0x2e: {  	s3 =	simm.s32 @!p0 $0x1082;
	s9 =	sld [smem:$0x3FB1]  }
0x2f: {  	lr =	sadd.s32 s0, s3;
	s0 =	sld [smem:$0x3FA8]  }
0x30: {  	s3 =	sld [smem:$0x3FAB]  }
0x31: {  	[smem:$0x3FB4] =	sst s10  }
0x32: {  	s10 =	sld [smem:$0x3FB2];
	_ =	sdelay $0x3  }
0x33: {  	p0 =	seq.s32 s10, $0x1;
	s10 =	sld [smem:$0x3FB4];
	_ =	sdelay $0x3  }
0x34: {  	[smem:$0x3FB4] =	sst s10  }
0x35: {  	s10 =	sld [smem:$0x3FB3];
	_ =	sdelay $0x3  }
0x36: {  	p1 =	seq.s32 s10, $0x1;
	s10 =	sld [smem:$0x3FB4];
	_ =	sdelay $0x3  }
0x37: {  	[smem:$0x3FB4] =	sst s10  }
0x38: {  	s10 =	sld [smem:$0x3FB5]  }
0x39: {  	_ = 	snop;
	(pc) =	sbr.ind lr, $3  }
0x3a: {  	_ = 	snop  }
0x3b: {  	_ = 	snop  }
0x3c: {  	p2 =	seq.s32 s10, $0x1;
	s10 =	sld [smem:$0x3FB4]  }
0x3d: {  	_ =	shalt  }
0x3e: {  	_ =	shalt  }
0x3f: {  	_ =	shalt  }
0x40: {  	_ =	shalt  }
0x41: {  	_ =	shalt  }
0x42: {  	_ =	shalt  }
0x43: {  	_ =	shalt  }
0x44: {  	_ =	shalt  }
0x45: {  	_ =	shalt  }
0x46: {  	_ =	shalt  }
0x47: {  	_ =	shalt  }
0x48: {  	_ =	shalt  }
0x49: {  	_ =	shalt  }
0x4a: {  	_ =	shalt  }
0x4b: {  	_ =	shalt  }
0x4c: {  	_ =	shalt  }
0x4d: {  	_ =	shalt  }
0x4e: {  	_ =	shalt  }
0x4f: {  	_ =	shalt  }
0x50: {  	_ =	shalt  }
0x51: {  	_ =	shalt  }
0x52: {  	_ =	shalt  }
0x53: {  	_ =	shalt  }
0x54: {  	_ =	shalt  }
0x55: {  	_ =	shalt  }
0x56: {  	_ =	shalt  }
0x57: {  	_ =	shalt  }
0x58: {  	_ =	shalt  }
0x59: {  	_ =	shalt  }
0x5a: {  	_ =	shalt  }
0x5b: {  	_ =	shalt  }
0x5c: {  	_ =	shalt  }
0x5d: {  	_ =	shalt  }
0x5e: {  	_ =	shalt  }
0x5f: {  	_ =	shalt  }
0x60: {  	_ =	shalt  }
0x61: {  	_ =	shalt  }
0x62: {  	_ =	shalt  }
0x63: {  	_ =	shalt  }
0x64: {  	_ =	shalt  }
0x65: {  	_ =	shalt  }
0x66: {  	_ =	shalt  }
0x67: {  	_ =	shalt  }
0x68: {  	_ =	shalt  }
0x69: {  	_ =	shalt  }
0x6a: {  	_ =	shalt  }
0x6b: {  	_ =	shalt  }
0x6c: {  	_ =	shalt  }
0x6d: {  	_ =	shalt  }
0x6e: {  	_ =	shalt  }
0x6f: {  	_ =	shalt  }
0x70: {  	_ =	shalt  }
0x71: {  	_ =	shalt  }
0x72: {  	_ =	shalt  }
0x73: {  	_ =	shalt  }
0x74: {  	_ =	shalt  }
0x75: {  	_ =	shalt  }
0x76: {  	_ =	shalt  }
0x77: {  	_ =	shalt  }
0x78: {  	_ =	shalt  }
0x79: {  	_ =	shalt  }
0x7a: {  	_ =	shalt  }
0x7b: {  	_ =	shalt  }
0x7c: {  	_ =	shalt  }
0x7d: {  	_ =	shalt  }
0x7e: {  	_ =	shalt  }
0x7f: {  	_ =	shalt  }
0x80: {  	_ =	shalt  }
0x81: {  	_ =	shalt  }
0x82: {  	_ =	shalt  }
0x83: {  	_ =	shalt  }
0x84: {  	_ =	shalt  }
0x85: {  	_ =	shalt  }
0x86: {  	_ =	shalt  }
0x87: {  	_ =	shalt  }
.Lfunc_end0:
.L_simem_size_0:
called_computation.1_lowered:
.L_overlay_start_0:
0x88: {  	s2 =	sld [smem:$0x3FD9]  }
0x89: {  	s3 =	sld [smem:$0x3FFE];
	_ =	sdelay $0x1  }
0x8a: {  	s1 =	srdreg.scid  }
0x8b: {  	s0 =	sand.u32 $0x1, s1  }
0x8c: {  	s17 =	sshll.u32 s0, $0xA;
	s2 =	sadd.s32 s3, s2  }
0x8d: {  	s2 =	sadd.s32 s2, s17  }
0x8e: {  	[smem:$0x3FC0] =	sst s2  }
0x8f: {  	_ = 	snop  }
0x90: {  	s2 =	sld [smem:$0x3FD0];
	(tm) =	ssettm $0x1  }
0x91: {  	s18 =	sld [smem:$0x3FFB];
	_ =	sdelay $0x3  }
0x92: {  	_ =	strace s18  }
0x93: {  	s3 =	sld [smem:$0x3FFC];
	_ =	sdelay $0x3  }
0x94: {  	_ =	strace s3  }
0x95: {  	s3 =	sld [smem:$0x3FFD];
	_ =	sdelay $0x3  }
0x96: {  	_ =	strace s3  }
0x97: {  	_ =	strace $0x8FFFFFFF  }
0x98: {  	s19 =	sld [smem:$0x3FDB];
	_ =	sdelay $0x1  }
0x99: {  	s4 =	simm.s32 $_scs_section_size  }
0x9a: {  	s5 =	simm.s32 $_size__tile_overlayer_lowered;
	s6 =	simm.s32 $_tile_overlayer_lowered  }
0x9b: {  	s22 =	simm.s32 $0x1BFF;
	s21 =	sshll.u32 s6, $0x1;
	s3 =	sadd.s32 s4, s19  }
0x9c: {  	s7 =	simm.s32 $0x0;
	s20 =	sshll.u32 s5, $0x1;
	s5 =	sadd.s32 s21, s3  }
0x9d: {  	[timem:s7], [sflag:s22] =	dma.local [hbm:s5], s20  }
0x9e: {  	_ =	swait.ge [sflag:s22], s20  }
0x9f: {  	s4 =	ssub.s32 $0x0, s20;
	[sflag:s22] =	ssyncset.done $0x0  }
0xa0: {  	[sflag:s22] =	ssyncadd.s32 s4;
	_ =	sdelay $0x1  }
0xa1: {  	s23 =	simm.s32 $0x1B8B  }
0xa2: {  	_ =	swait.ge [sflag:s23], $0x1  }
0xa3: {  	[sflag:s23] =	ssyncset.done $0x0  }
0xa4: {  	s25 =	simm.s32 $0x1B8E;
	s24 =	sld [smem:$0x3FFE];
	[sflag:s23] =	ssyncadd.s32 $0xFFFFFFFF  }
0xa5: {  	s26 =	simm.s32 $execute0_lowered;
	[smem:$0x3FD2] =	sst s25  }
0xa6: {  	s5 =	sshll.u32 s26, $0x1;
	_ =	strace $0x80000049;
	[dreg:$0x1] =	wrdreg $0xFFFFFFFF  }
0xa7: {  	s28 =	simm.s32 $_size_execute0_lowered;
	s3 =	sadd.s32 s3, s5;
	[dreg:$0x0] =	wrdreg $0x0  }
0xa8: {  	s5 =	sshll.u32 s28, $0x1;
	[dreg:$0x2] =	wrdreg s3  }
0xa9: {  	[dreg:$0x3] =	wrdreg s5  }
0xaa: {  	[dreg:$0x4] =	wrdreg $0xC0  }
0xab: {  	_ =	task [dreg:s7], $0x5FFFF  }
0xac: {  	[dreg:$0x1] =	wrdreg $0xFFFFFFFF  }
0xad: {  	[dreg:$0x0] =	wrdreg $0x60  }
0xae: {  	[dreg:$0x2] =	wrdreg s24  }
0xaf: {  	[dreg:$0x3] =	wrdreg s2  }
0xb0: {  	[dreg:$0x4] =	wrdreg $0x90000  }
0xb1: {  	[dreg:$0x5] =	wrdreg $0x9  }
0xb2: {  	_ =	task.clear_ibuf [dreg:s7], $0x6FFFF;
	_ =	strace $0x90000049  }
0xb3: {  	s29 =	simm.s32 $0x9;
	_ =	strace $0x8000004B  }
0xb4: {  	_ =	swait.ge [sflag:s29], $0x1  }
0xb5: {  	[sflag:s29] =	ssyncadd.s32 $0xFFFFFFFF  }
0xb6: {  	_ =	strace $0x9000004B  }
0xb7: {  	_ =	sfence  }
0xb8: {  	s30 =	sld [smem:$0x0];
	_ =	sdelay $0x2  }
0xb9: {  	s31 =	sshll.u32 s1, $0xD;
	s1 =	sshrl.u32 s1, $0x2  }
0xba: {  	s3 =	sand.u32 $0x4000, s31;
	s1 =	sadd.s32 s1, s30  }
0xbb: {  	s0 =	sor.u32 s3, s0;
	s1 =	sshll.u32 s1, $0x11  }
0xbc: {  	s0 =	sor.u32 s1, s0  }
0xbd: {  	s0 =	sadd.s32 $0x8F2B, s0  }
0xbe: {  	[sflag:s0] =	ssyncadd.remote.s32 $0x1  }
0xbf: {  	_ =	sfence.sel $0xFFFF  }
0xc0: {  	[dreg:$0x0] =	wrdreg $0xFFFFFFFF;
	(pc) =	sbr.abs _section_cstart, $3  }
0xc1: {  	[dreg:$0x1] =	wrdreg $0xFFFFFFFF  }
0xc2: {  	_ =	task.clear_ibuf [dreg:s7], $0x2FFFF;
	_ =	strace $0x9FFFFFFF  }
0xc3: {  	(tm) =	ssettm $0x7FFFFFFF  }
tec
execute0_lowered:
.L_overlay_start_1:
0x0: {  	(tag) =	ssettag $0x1  }
0x1: {  	s5 =	rddreg [dreg:$0x0]  }
0x2: {  	s7 =	rddreg [dreg:$0x1]  }
0x3: {  	s1 =	rddreg [dreg:$0x2]  }
0x4: {  	s2 =	srdreg.scid;
	s0 =	rddreg [dreg:$0x3];
	s3 =	simm.s32 $0x0  }
0x5: {  	s14 =	simm.s32 $0x1;
	s15 =	simm.s32 $0x2800;
	s16 =	simm.s32 $0x5000  }
0x6: {  	s17 =	simm.s32 $0x80;
	s6 =	sand.u32 $0x1, s2;
	s2 =	stileid.u32  }
0x7: {  	s20 =	simm.s32 $0x0;
	[smem:$0x7FF] =	sst s3;
	s8 =	smul.u32 $0x140000, s6  }
0x8: {  	s4 =	sshll.u32 s6, $0x4;
	s9 =	smul.u32 $0x14000, s2;
	_ =	strace $0x8000004A  }
0x9: {  	s29 =	smul.u32 $0x50000, s2;
	s6 =	ssub.s32 $0x2, s6;
	s18 =	sshll.u32 s2, $0x6  }
0xa: {  	s4 =	sor.u32 s2, s4;
	s30 =	sshrl.u32 s6, $0x1;
	s18 =	sor.u32 $0x1C01, s18  }
0xb: {  	s10 =	smul.u32 $0x500, s4;
	s4 =	sadd.s32 $0xD200, s5;
	s8 =	sadd.s32 s9, s8  }
0xc: {  	s31 =	sshrl.u32 s29, $0x2;
	s13 =	ssub.s32 s6, s30;
	s8 =	sshrl.u32 s8, $0x3  }
0xd: {  	s6 =	sadd.s32 s31, s1;
	s13 =	smax.u32 s13, $0x1;
	s11 =	sadd.s32 s10, s5  }
0xe: {  	s12 =	sadd.s32 s8, s5;
	s7 =	sadd.s32 s7, s10;
	s8 =	sadd.s32 $0x4000, s6  }
0xf: {  	s9 =	sadd.s32 $0x8000, s6;
	s10 =	sadd.s32 $0xC000, s6;
	s19 =	sshrl.u32 s6, $0x3  }
0x10: {  	v0 =	vimm.f32 $0.0e+00;
	s5 =	sadd.s32 $0x3200, s11;
	s11 =	sadd.s32 $0x10000, s6;
	s12 =	sadd.s32 $0x34400, s12  }
.LBB2_1:
0x11: {  	[tilespmem:s3], [sflag:$0x1] =	stream.linear.gather [hbm4b:s5+s3], $0x2780, $0x38;
	[tilespmem:$0x1D000] =	vst v63  }
0x12: {  	_ =	swait.ge [sflag:s14], $0x2780  }
0x13: {  	[sflag:s14] =	ssyncset.done $0x0  }
0x14: {  	[sflag:s14] =	ssyncadd.s32 $0xFFFFD880  }
0x15: {  	[tilespmem:s15], [sflag:$0x1] =	stream.linear.gather [hbm4b:s7+s3], $0x2780, $0x38;
	[tilespmem:$0x1D000] =	vst v63  }
0x16: {  	_ =	swait.ge [sflag:s14], $0x2780  }
0x17: {  	[sflag:s14] =	ssyncset.done $0x0  }
0x18: {  	s21 =	simm.s32 $0x0;
	s22 =	simm.s32 $0x200;
	[sflag:s14] =	ssyncadd.s32 $0xFFFFD880  }
.LBB2_2:
0x19: {  	p0 =	sne.s32 s22, $0xFE00;
	[tilespmem:s21+$0x5070] =	vst v0  }
0x1a: {  	[tilespmem:s21+$0x5000] =	vst v0  }
0x1b: {  	[tilespmem:s21+$0x5010] =	vst v0  }
.Ltmp0:
0x1c: {  	[tilespmem:s21+$0x5020] =	vst v0;
	(pc) =	sbr.rel @p0 .LBB2_2-.Ltmp0, $4  }
0x1d: {  	[tilespmem:s21+$0x5030] =	vst v0  }
0x1e: {  	[tilespmem:s21+$0x5040] =	vst v0  }
0x1f: {  	[tilespmem:s21+$0x5050] =	vst v0  }
0x20: {  	[tilespmem:s21+$0x5060] =	vst v0;
	s21 =	sshra.s32 s22, $0x2;
	s22 =	sadd.s32 $0x200, s22  }
0x21: {  	[tilespmem:s21+$0x5070] =	vst v0  }
0x22: {  	[tilespmem:s21+$0x5000] =	vst v0  }
0x23: {  	[tilespmem:s21+$0x5010] =	vst v0  }
0x24: {  	[tilespmem:s21+$0x5020] =	vst v0  }
0x25: {  	[tilespmem:s21+$0x5030] =	vst v0  }
0x26: {  	[tilespmem:s21+$0x5040] =	vst v0  }
0x27: {  	[tilespmem:s21+$0x5050] =	vst v0  }
0x28: {  	[tilespmem:s21+$0x5060] =	vst v0  }
0x29: {  	[spmem:s6] =	stream.linear.scatter [tilespmem:s16], [sflag:$0x1], $0x4000, $0x38;
	[tilespmem:$0x1D000] =	vst v63  }
0x2a: {  	_ =	swait.ge [sflag:s14], $0x4000  }
0x2b: {  	[sflag:s14] =	ssyncset.done $0x0  }
0x2c: {  	[sflag:s14] =	ssyncadd.s32 $0xFFFFC000  }
0x2d: {  	[spmem:s8] =	stream.linear.scatter [tilespmem:s16], [sflag:$0x1], $0x4000, $0x38;
	[tilespmem:$0x1D000] =	vst v63  }
0x2e: {  	_ =	swait.ge [sflag:s14], $0x4000  }
0x2f: {  	[sflag:s14] =	ssyncset.done $0x0  }
0x30: {  	[sflag:s14] =	ssyncadd.s32 $0xFFFFC000  }
0x31: {  	[spmem:s9] =	stream.linear.scatter [tilespmem:s16], [sflag:$0x1], $0x4000, $0x38;
	[tilespmem:$0x1D000] =	vst v63  }
0x32: {  	_ =	swait.ge [sflag:s14], $0x4000  }
0x33: {  	[sflag:s14] =	ssyncset.done $0x0  }
0x34: {  	[sflag:s14] =	ssyncadd.s32 $0xFFFFC000  }
0x35: {  	[spmem:s10] =	stream.linear.scatter [tilespmem:s16], [sflag:$0x1], $0x4000, $0x38;
	[tilespmem:$0x1D000] =	vst v63  }
0x36: {  	_ =	swait.ge [sflag:s14], $0x4000  }
0x37: {  	[sflag:s14] =	ssyncset.done $0x0  }
0x38: {  	[sflag:s14] =	ssyncadd.s32 $0xFFFFC000  }
0x39: {  	[spmem:s11] =	stream.linear.scatter [tilespmem:s16], [sflag:$0x1], $0x4000, $0x38;
	[tilespmem:$0x1D000] =	vst v63  }
0x3a: {  	_ =	swait.ge [sflag:s14], $0x4000  }
0x3b: {  	[sflag:s14] =	ssyncset.done $0x0  }
0x3c: {  	[sflag:s14] =	ssyncadd.s32 $0xFFFFC000  }
0x3d: {  	s30 =	simm.s32 $0x0;
	[bflag:$0x0] =	sbarrier.arrive $0xFFFF  }
0x3e: {  	[tilespmem:s16], [sflag:$0x1] =	stream.indirect.gather [hbm4b:s4+s17], $0x80, s30, s17, $0xb8;
	[tilespmem:$0x1D000] =	vst v63  }
0x3f: {  	_ =	swait.ge [sflag:s14], $0x4000  }
0x40: {  	[sflag:s14] =	ssyncset.done $0x0  }
0x41: {  	s31 =	simm.s32 $0x2800;
	[sflag:s14] =	ssyncadd.s32 $0xFFFFC000  }
0x42: {  	[spmem:s1] =	stream.indirect.scatter.add.f32 [tilespmem:s16], [sflag:$0x1], $0x80, s31, s17, $0xb8;
	[tilespmem:$0x1D000] =	vst v63  }
0x43: {  	_ =	swait.ge [sflag:s14], $0x4000  }
0x44: {  	s21 =	simm.s32 $0x200;
	s22 =	simm.s32 $0x400;
	[sflag:s14] =	ssyncset.done $0x0  }
.LBB2_4:
0x45: {  	s23 =	sshra.s32 s21, $0x2  }
0x46: {  	[sflag:s14] =	ssyncadd.s32 $0xFFFFC000;
	s21 =	smov.u32 s22;
	s24 =	sadd.s32 $0x200, s22  }
0x47: {  	[tilespmem:s16], [sflag:$0x1] =	stream.indirect.gather [hbm4b:s4+s17], $0x80, s23, s17, $0xb8;
	[tilespmem:$0x1D000] =	vst v63  }
0x48: {  	p0 =	sne.s32 s22, $0x9C00;
	_ =	swait.ge [sflag:s14], $0x4000  }
.Ltmp1:
0x49: {  	[sflag:s14] =	ssyncset.done $0x0;
	(pc) =	sbr.rel @p0 .LBB2_4-.Ltmp1, $4  }
0x4a: {  	s22 =	sadd.s32 $0x2800, s23;
	[sflag:s14] =	ssyncadd.s32 $0xFFFFC000  }
0x4b: {  	[spmem:s1] =	stream.indirect.scatter.add.f32 [tilespmem:s16], [sflag:$0x1], $0x80, s22, s17, $0xb8;
	[tilespmem:$0x1D000] =	vst v63  }
0x4c: {  	_ =	swait.ge [sflag:s14], $0x4000  }
0x4d: {  	s22 =	smov.u32 s24;
	[sflag:s14] =	ssyncset.done $0x0  }
0x4e: {  	s21 =	sshra.s32 s21, $0x2;
	[sflag:s14] =	ssyncadd.s32 $0xFFFFC000  }
0x4f: {  	[tilespmem:s16], [sflag:$0x1] =	stream.indirect.gather [hbm4b:s4+s17], $0x80, s21, s17, $0xb8;
	[tilespmem:$0x1D000] =	vst v63  }
0x50: {  	_ =	swait.ge [sflag:s14], $0x4000  }
0x51: {  	[sflag:s14] =	ssyncset.done $0x0  }
0x52: {  	s21 =	sadd.s32 $0x2800, s21;
	[sflag:s14] =	ssyncadd.s32 $0xFFFFC000  }
0x53: {  	[spmem:s1] =	stream.indirect.scatter.add.f32 [tilespmem:s16], [sflag:$0x1], $0x80, s21, s17, $0xb8;
	[tilespmem:$0x1D000] =	vst v63  }
0x54: {  	_ =	swait.ge [sflag:s14], $0x4000  }
0x55: {  	s20 =	sadd.s32 $0x1, s20;
	[sflag:s14] =	ssyncset.done $0x0  }
0x56: {  	p0 =	sne.s32 s20, s13;
	[sflag:s14] =	ssyncadd.s32 $0xFFFFC000  }
.Ltmp2:
0x57: {  	[bflag:$0x0] =	sbarrier.arrive $0xFFFF;
	(pc) =	sbr.rel @p0 .LBB2_1-.Ltmp2, $4  }
0x58: {  	[hbm:s12], [sflag:s18] =	dma.local [spmem:s19], $0x2800  }
0x59: {  	_ =	swait.ge [sflag:s14], $0x2800  }
0x5a: {  	[sflag:s14] =	ssyncset.done $0x0  }
0x5b: {  	[sflag:s14] =	ssyncadd.s32 $0xFFFFD800  }
0x5c: {  	_ =	sfence.sel $0x180000  }
0x5d: {  	[bflag:$0x0] =	sbarrier.arrive $0xFFFF  }
0x5e: {  	p0 =	sne.s32 s2, $0x0;
	_ =	strace $0x9000004A  }
0x5f: {  	s0 =	sadd.s32 @!p0 $0x100000, s0;
	[bflag:$0x2] =	sbarrier.arrive $0xFFFF  }
0x60: {  	[sflag:s0] =	ssyncadd.tile.s32 @!p0 $0x1;
	_ =	shalt  }
.Lfunc_end2:
_tile_overlayer_lowered:
.L_overlay_start_2:
0x61: {  	(tag) =	ssettag $0x2  }
0x62: {  	s0 =	rddreg [dreg:$0x0];
	s2 =	stileid.u32  }
0x63: {  	s1 =	rddreg [dreg:$0x1];
	p0 =	sne.s32 s2, $0x0  }
0x64: {  	s3 =	rddreg [dreg:$0x2];
	[bflag:$0x3] =	sbarrier.arrive $0xFFFF;
	s2 =	simm.s32 @!p0 $0x1C01  }
0x65: {  	[timem:s3], [sflag:s2] =	dma.local @!p0 [hbm:s0], s1  }
0x66: {  	s0 =	simm.s32 @!p0 $0x1  }
0x67: {  	_ =	swait.ge @!p0 [sflag:s0], s1  }
0x68: {  	s1 =	ssub.s32 @!p0 $0x0, s1;
	[sflag:s0] =	ssyncset.done @!p0 $0x0  }
0x69: {  	[sflag:s0] =	ssyncadd.s32 @!p0 s1  }
0x6a: {  	[bflag:$0x3] =	sbarrier.arrive $0xFFFF  }
0x6b: {  	_ =	shalt  }

// kernel: kernel.14.cloned.1.call-start
scs
__scs_entry_jumppad:
0x0: {  	(pc) =	sbr.rel $0x88, $3  }
0x1: {  	(tag) =	ssettag $0x0;
	lr =	simm.s32 $0x1  }
0x2: {  	[smem:$0x3F99] =	sst lr;
	_ =	strace $0xD0000000  }
0x3: {  	_ = 	snop  }
0x4: {  	_ = 	snop  }
0x5: {  	_ = 	snop  }
0x6: {  	_ = 	snop  }
0x7: {  	_ = 	snop  }
__scs_overlays_trampoline_lowered:
0x8: {  	[smem:$0x3FA8] =	sst s0  }
0x9: {  	[smem:$0x3FA9] =	sst s1  }
0xa: {  	[smem:$0x3FAA] =	sst s2  }
0xb: {  	[smem:$0x3FAB] =	sst s3  }
0xc: {  	[smem:$0x3FAC] =	sst s4  }
0xd: {  	[smem:$0x3FAD] =	sst s5  }
0xe: {  	[smem:$0x3FAE] =	sst s6  }
0xf: {  	[smem:$0x3FAF] =	sst s7  }
0x10: {  	[smem:$0x3FB0] =	sst s8  }
0x11: {  	[smem:$0x3FB1] =	sst s9;
	s0 =	simm.s32 @!p0 $0x0  }
0x12: {  	s1 =	sld [smem:$0x3F97];
	s0 =	simm.s32 @p0 $0x1  }
0x13: {  	[smem:$0x3FB2] =	sst s0;
	s0 =	simm.s32 @!p1 $0x0  }
0x14: {  	s2 =	sld [smem:$0x3F96];
	s0 =	simm.s32 @p1 $0x1  }
0x15: {  	[smem:$0x3FB3] =	sst s0;
	s0 =	simm.s32 @!p2 $0x0  }
0x16: {  	s3 =	sld [smem:$0x3FDB];
	s0 =	simm.s32 @p2 $0x1  }
0x17: {  	s4 =	simm.s32 $0x1BF5;
	[smem:$0x3FB5] =	sst s0  }
0x18: {  	s0 =	sld [smem:$0x3F98];
	_ =	swait.ge [sflag:s4], $0x0  }
0x19: {  	s7 =	sld [smem:$0x3F99]  }
0x1a: {  	s8 =	sadd.s32 $0xFFFFE003, lr  }
0x1b: {  	s9 =	sadd.s32 $0xFFFFFEF7, lr;
	s5 =	simm.s32 $0xFFFFFFFF;
	p2 =	slt.u32 s8, $0xFFFFF086  }
0x1c: {  	p1 =	slt.u32 s9, $0xF7A;
	s5 =	simm.s32 @!p2 $0x0  }
0x1d: {  	s5 =	simm.s32 @p1 $0x1;
	p0 =	seq.s32 s7, s2  }
0x1e: {  	s7 =	smul.u32 @!p0 $0xF7A, s2;
	p2 =	seq.s32 @!p0 s5, $0x0  }
0x1f: {  	s9 =	smul.u32 $0xF7A, s1;
	s8 =	simm.s32 @!p0 $0x1BF5;
	p2 =	por !p2, p0  }
0x20: {  	[sflag:s8] =	ssyncset.s32 @!p0 $0xFFFFF086;
	s6 =	sadd.s32 @!p0 s3, s7;
	s7 =	simm.s32 @!p0 $0x108  }
0x21: {  	s3 =	sadd.s32 s3, s9;
	s6 =	sadd.s32 @!p0 $0x88, s6;
	s7 =	simm.s32 @p2 $0x1082  }
0x22: {  	[simem:s7], [sflag:s8] =	dma.local @!p0 [hbm:s6], $0xF7A  }
0x23: {  	s9 =	sor.u32 $0xD0000000, s2;
	s6 =	simm.s32 $0x108;
	_ =	swait.ge @!p0 [sflag:s8], $0x0  }
0x24: {  	s3 =	sadd.s32 $0x88, s3;
	s6 =	simm.s32 @!p1 $0x1082;
	[sflag:s4] =	ssyncset.s32 $0xFFFFF086  }
0x25: {  	[simem:s6], [sflag:s4] =	dma.local [hbm:s3], $0xF7A  }
0x26: {  	[smem:$0x3F99] =	sst s1;
	(tag) =	ssettag s2;
	_ =	strace s9  }
0x27: {  	s1 =	sld [smem:$0x3FA9]  }
0x28: {  	s2 =	sld [smem:$0x3FAA]  }
0x29: {  	s4 =	sld [smem:$0x3FAC]  }
0x2a: {  	p0 =	seq.s32 s5, $0x0;
	s5 =	sld [smem:$0x3FAD]  }
0x2b: {  	s6 =	sld [smem:$0x3FAE]  }
0x2c: {  	s7 =	sld [smem:$0x3FAF]  }
0x2d: {  	s3 =	simm.s32 $0x108;
	s8 =	sld [smem:$0x3FB0]  }
0x2e: {  	s3 =	simm.s32 @!p0 $0x1082;
	s9 =	sld [smem:$0x3FB1]  }
0x2f: {  	lr =	sadd.s32 s0, s3;
	s0 =	sld [smem:$0x3FA8]  }
0x30: {  	s3 =	sld [smem:$0x3FAB]  }
0x31: {  	[smem:$0x3FB4] =	sst s10  }
0x32: {  	s10 =	sld [smem:$0x3FB2];
	_ =	sdelay $0x3  }
0x33: {  	p0 =	seq.s32 s10, $0x1;
	s10 =	sld [smem:$0x3FB4];
	_ =	sdelay $0x3  }
0x34: {  	[smem:$0x3FB4] =	sst s10  }
0x35: {  	s10 =	sld [smem:$0x3FB3];
	_ =	sdelay $0x3  }
0x36: {  	p1 =	seq.s32 s10, $0x1;
	s10 =	sld [smem:$0x3FB4];
	_ =	sdelay $0x3  }
0x37: {  	[smem:$0x3FB4] =	sst s10  }
0x38: {  	s10 =	sld [smem:$0x3FB5]  }
0x39: {  	_ = 	snop;
	(pc) =	sbr.ind lr, $3  }
0x3a: {  	_ = 	snop  }
0x3b: {  	_ = 	snop  }
0x3c: {  	p2 =	seq.s32 s10, $0x1;
	s10 =	sld [smem:$0x3FB4]  }
0x3d: {  	_ =	shalt  }
0x3e: {  	_ =	shalt  }
0x3f: {  	_ =	shalt  }
0x40: {  	_ =	shalt  }
0x41: {  	_ =	shalt  }
0x42: {  	_ =	shalt  }
0x43: {  	_ =	shalt  }
0x44: {  	_ =	shalt  }
0x45: {  	_ =	shalt  }
0x46: {  	_ =	shalt  }
0x47: {  	_ =	shalt  }
0x48: {  	_ =	shalt  }
0x49: {  	_ =	shalt  }
0x4a: {  	_ =	shalt  }
0x4b: {  	_ =	shalt  }
0x4c: {  	_ =	shalt  }
0x4d: {  	_ =	shalt  }
0x4e: {  	_ =	shalt  }
0x4f: {  	_ =	shalt  }
0x50: {  	_ =	shalt  }
0x51: {  	_ =	shalt  }
0x52: {  	_ =	shalt  }
0x53: {  	_ =	shalt  }
0x54: {  	_ =	shalt  }
0x55: {  	_ =	shalt  }
0x56: {  	_ =	shalt  }
0x57: {  	_ =	shalt  }
0x58: {  	_ =	shalt  }
0x59: {  	_ =	shalt  }
0x5a: {  	_ =	shalt  }
0x5b: {  	_ =	shalt  }
0x5c: {  	_ =	shalt  }
0x5d: {  	_ =	shalt  }
0x5e: {  	_ =	shalt  }
0x5f: {  	_ =	shalt  }
0x60: {  	_ =	shalt  }
0x61: {  	_ =	shalt  }
0x62: {  	_ =	shalt  }
0x63: {  	_ =	shalt  }
0x64: {  	_ =	shalt  }
0x65: {  	_ =	shalt  }
0x66: {  	_ =	shalt  }
0x67: {  	_ =	shalt  }
0x68: {  	_ =	shalt  }
0x69: {  	_ =	shalt  }
0x6a: {  	_ =	shalt  }
0x6b: {  	_ =	shalt  }
0x6c: {  	_ =	shalt  }
0x6d: {  	_ =	shalt  }
0x6e: {  	_ =	shalt  }
0x6f: {  	_ =	shalt  }
0x70: {  	_ =	shalt  }
0x71: {  	_ =	shalt  }
0x72: {  	_ =	shalt  }
0x73: {  	_ =	shalt  }
0x74: {  	_ =	shalt  }
0x75: {  	_ =	shalt  }
0x76: {  	_ =	shalt  }
0x77: {  	_ =	shalt  }
0x78: {  	_ =	shalt  }
0x79: {  	_ =	shalt  }
0x7a: {  	_ =	shalt  }
0x7b: {  	_ =	shalt  }
0x7c: {  	_ =	shalt  }
0x7d: {  	_ =	shalt  }
0x7e: {  	_ =	shalt  }
0x7f: {  	_ =	shalt  }
0x80: {  	_ =	shalt  }
0x81: {  	_ =	shalt  }
0x82: {  	_ =	shalt  }
0x83: {  	_ =	shalt  }
0x84: {  	_ =	shalt  }
0x85: {  	_ =	shalt  }
0x86: {  	_ =	shalt  }
0x87: {  	_ =	shalt  }
.Lfunc_end0:
.L_simem_size_0:
called_computation.2_lowered:
.L_overlay_start_0:
0x88: {  	s2 =	sld [smem:$0x3FD9]  }
0x89: {  	s3 =	sld [smem:$0x3FFE];
	_ =	sdelay $0x1  }
0x8a: {  	s1 =	srdreg.scid  }
0x8b: {  	s0 =	sand.u32 $0x1, s1  }
0x8c: {  	s17 =	sshll.u32 s0, $0xA;
	s2 =	sadd.s32 s3, s2  }
0x8d: {  	s2 =	sadd.s32 s2, s17  }
0x8e: {  	[smem:$0x3FC0] =	sst s2  }
0x8f: {  	_ = 	snop  }
0x90: {  	s2 =	sld [smem:$0x3FD0];
	(tm) =	ssettm $0x1  }
0x91: {  	s18 =	sld [smem:$0x3FFB];
	_ =	sdelay $0x3  }
0x92: {  	_ =	strace s18  }
0x93: {  	s3 =	sld [smem:$0x3FFC];
	_ =	sdelay $0x3  }
0x94: {  	_ =	strace s3  }
0x95: {  	s3 =	sld [smem:$0x3FFD];
	_ =	sdelay $0x3  }
0x96: {  	_ =	strace s3  }
0x97: {  	_ =	strace $0x8FFFFFFF  }
0x98: {  	s19 =	sld [smem:$0x3FDB];
	_ =	sdelay $0x1  }
0x99: {  	s4 =	simm.s32 $_scs_section_size  }
0x9a: {  	s5 =	simm.s32 $_size__tile_overlayer_lowered;
	s6 =	simm.s32 $_tile_overlayer_lowered  }
0x9b: {  	s22 =	simm.s32 $0x1BFF;
	s21 =	sshll.u32 s6, $0x1;
	s3 =	sadd.s32 s4, s19  }
0x9c: {  	s7 =	simm.s32 $0x0;
	s20 =	sshll.u32 s5, $0x1;
	s5 =	sadd.s32 s21, s3  }
0x9d: {  	[timem:s7], [sflag:s22] =	dma.local [hbm:s5], s20  }
0x9e: {  	_ =	swait.ge [sflag:s22], s20  }
0x9f: {  	s4 =	ssub.s32 $0x0, s20;
	[sflag:s22] =	ssyncset.done $0x0  }
0xa0: {  	[sflag:s22] =	ssyncadd.s32 s4;
	_ =	sdelay $0x1  }
0xa1: {  	s23 =	simm.s32 $0x1B8B  }
0xa2: {  	_ =	swait.ge [sflag:s23], $0x1  }
0xa3: {  	[sflag:s23] =	ssyncset.done $0x0  }
0xa4: {  	s25 =	simm.s32 $0x1B8E;
	s24 =	sld [smem:$0x3FFE];
	[sflag:s23] =	ssyncadd.s32 $0xFFFFFFFF  }
0xa5: {  	s26 =	simm.s32 $execute0_lowered;
	[smem:$0x3FD2] =	sst s25  }
0xa6: {  	s5 =	sshll.u32 s26, $0x1;
	_ =	strace $0x8000004C;
	[dreg:$0x1] =	wrdreg $0xFFFFFFFF  }
0xa7: {  	s28 =	simm.s32 $_size_execute0_lowered;
	s3 =	sadd.s32 s3, s5;
	[dreg:$0x0] =	wrdreg $0x0  }
0xa8: {  	s5 =	sshll.u32 s28, $0x1;
	[dreg:$0x2] =	wrdreg s3  }
0xa9: {  	[dreg:$0x3] =	wrdreg s5  }
0xaa: {  	[dreg:$0x4] =	wrdreg $0xC0  }
0xab: {  	_ =	task [dreg:s7], $0x5FFFF  }
0xac: {  	[dreg:$0x1] =	wrdreg $0xFFFFFFFF  }
0xad: {  	[dreg:$0x0] =	wrdreg $0x60  }
0xae: {  	[dreg:$0x2] =	wrdreg s24  }
0xaf: {  	[dreg:$0x3] =	wrdreg s2  }
0xb0: {  	[dreg:$0x4] =	wrdreg $0x90000  }
0xb1: {  	[dreg:$0x5] =	wrdreg $0x9  }
0xb2: {  	_ =	task.clear_ibuf [dreg:s7], $0x6FFFF;
	_ =	strace $0x9000004C  }
0xb3: {  	s29 =	simm.s32 $0x9;
	_ =	strace $0x8000004E  }
0xb4: {  	_ =	swait.ge [sflag:s29], $0x1  }
0xb5: {  	[sflag:s29] =	ssyncadd.s32 $0xFFFFFFFF  }
0xb6: {  	_ =	strace $0x9000004E  }
0xb7: {  	_ =	sfence  }
0xb8: {  	s30 =	sld [smem:$0x0];
	_ =	sdelay $0x2  }
0xb9: {  	s31 =	sshll.u32 s1, $0xD;
	s1 =	sshrl.u32 s1, $0x2  }
0xba: {  	s3 =	sand.u32 $0x4000, s31;
	s1 =	sadd.s32 s1, s30  }
0xbb: {  	s0 =	sor.u32 s3, s0;
	s1 =	sshll.u32 s1, $0x11  }
0xbc: {  	s0 =	sor.u32 s1, s0  }
0xbd: {  	s0 =	sadd.s32 $0x8F2B, s0  }
0xbe: {  	[sflag:s0] =	ssyncadd.remote.s32 $0x1  }
0xbf: {  	_ =	sfence.sel $0xFFFF  }
0xc0: {  	[dreg:$0x0] =	wrdreg $0xFFFFFFFF;
	(pc) =	sbr.abs _section_cstart, $3  }
0xc1: {  	[dreg:$0x1] =	wrdreg $0xFFFFFFFF  }
0xc2: {  	_ =	task.clear_ibuf [dreg:s7], $0x2FFFF;
	_ =	strace $0x9FFFFFFF  }
0xc3: {  	(tm) =	ssettm $0x7FFFFFFF  }
tec
execute0_lowered:
.L_overlay_start_1:
0x0: {  	(tag) =	ssettag $0x1  }
0x1: {  	s5 =	rddreg [dreg:$0x0]  }
0x2: {  	s7 =	rddreg [dreg:$0x1]  }
0x3: {  	s1 =	rddreg [dreg:$0x2]  }
0x4: {  	s2 =	srdreg.scid;
	s0 =	rddreg [dreg:$0x3];
	s3 =	simm.s32 $0x0  }
0x5: {  	s14 =	simm.s32 $0x1;
	s15 =	simm.s32 $0x2800;
	s16 =	simm.s32 $0x5000  }
0x6: {  	s17 =	simm.s32 $0x80;
	s6 =	sand.u32 $0x1, s2;
	s2 =	stileid.u32  }
0x7: {  	s20 =	simm.s32 $0x0;
	[smem:$0x7FF] =	sst s3;
	s8 =	smul.u32 $0x140000, s6  }
0x8: {  	s4 =	sshll.u32 s6, $0x4;
	s9 =	smul.u32 $0x14000, s2;
	_ =	strace $0x8000004D  }
0x9: {  	s29 =	smul.u32 $0x50000, s2;
	s6 =	ssub.s32 $0x2, s6;
	s18 =	sshll.u32 s2, $0x6  }
0xa: {  	s4 =	sor.u32 s2, s4;
	s30 =	sshrl.u32 s6, $0x1;
	s18 =	sor.u32 $0x1C01, s18  }
0xb: {  	s10 =	smul.u32 $0x500, s4;
	s4 =	sadd.s32 $0xD200, s5;
	s8 =	sadd.s32 s9, s8  }
0xc: {  	s31 =	sshrl.u32 s29, $0x2;
	s13 =	ssub.s32 s6, s30;
	s8 =	sshrl.u32 s8, $0x3  }
0xd: {  	s6 =	sadd.s32 s31, s1;
	s13 =	smax.u32 s13, $0x1;
	s11 =	sadd.s32 s10, s5  }
0xe: {  	s12 =	sadd.s32 s8, s5;
	s7 =	sadd.s32 s7, s10;
	s8 =	sadd.s32 $0x4000, s6  }
0xf: {  	s9 =	sadd.s32 $0x8000, s6;
	s10 =	sadd.s32 $0xC000, s6;
	s19 =	sshrl.u32 s6, $0x3  }
0x10: {  	v0 =	vimm.f32 $0.0e+00;
	s5 =	sadd.s32 $0x3200, s11;
	s11 =	sadd.s32 $0x10000, s6;
	s12 =	sadd.s32 $0x34400, s12  }
.LBB2_1:
0x11: {  	[tilespmem:s3], [sflag:$0x1] =	stream.linear.gather [hbm4b:s5+s3], $0x2780, $0x38;
	[tilespmem:$0x1D000] =	vst v63  }
0x12: {  	_ =	swait.ge [sflag:s14], $0x2780  }
0x13: {  	[sflag:s14] =	ssyncset.done $0x0  }
0x14: {  	[sflag:s14] =	ssyncadd.s32 $0xFFFFD880  }
0x15: {  	[tilespmem:s15], [sflag:$0x1] =	stream.linear.gather [hbm4b:s7+s3], $0x2780, $0x38;
	[tilespmem:$0x1D000] =	vst v63  }
0x16: {  	_ =	swait.ge [sflag:s14], $0x2780  }
0x17: {  	[sflag:s14] =	ssyncset.done $0x0  }
0x18: {  	s21 =	simm.s32 $0x0;
	s22 =	simm.s32 $0x200;
	[sflag:s14] =	ssyncadd.s32 $0xFFFFD880  }
.LBB2_2:
0x19: {  	p0 =	sne.s32 s22, $0xFE00;
	[tilespmem:s21+$0x5070] =	vst v0  }
0x1a: {  	[tilespmem:s21+$0x5000] =	vst v0  }
0x1b: {  	[tilespmem:s21+$0x5010] =	vst v0  }
.Ltmp0:
0x1c: {  	[tilespmem:s21+$0x5020] =	vst v0;
	(pc) =	sbr.rel @p0 .LBB2_2-.Ltmp0, $4  }
0x1d: {  	[tilespmem:s21+$0x5030] =	vst v0  }
0x1e: {  	[tilespmem:s21+$0x5040] =	vst v0  }
0x1f: {  	[tilespmem:s21+$0x5050] =	vst v0  }
0x20: {  	[tilespmem:s21+$0x5060] =	vst v0;
	s21 =	sshra.s32 s22, $0x2;
	s22 =	sadd.s32 $0x200, s22  }
0x21: {  	[tilespmem:s21+$0x5070] =	vst v0  }
0x22: {  	[tilespmem:s21+$0x5000] =	vst v0  }
0x23: {  	[tilespmem:s21+$0x5010] =	vst v0  }
0x24: {  	[tilespmem:s21+$0x5020] =	vst v0  }
0x25: {  	[tilespmem:s21+$0x5030] =	vst v0  }
0x26: {  	[tilespmem:s21+$0x5040] =	vst v0  }
0x27: {  	[tilespmem:s21+$0x5050] =	vst v0  }
0x28: {  	[tilespmem:s21+$0x5060] =	vst v0  }
0x29: {  	[spmem:s6] =	stream.linear.scatter [tilespmem:s16], [sflag:$0x1], $0x4000, $0x38;
	[tilespmem:$0x1D000] =	vst v63  }
0x2a: {  	_ =	swait.ge [sflag:s14], $0x4000  }
0x2b: {  	[sflag:s14] =	ssyncset.done $0x0  }
0x2c: {  	[sflag:s14] =	ssyncadd.s32 $0xFFFFC000  }
0x2d: {  	[spmem:s8] =	stream.linear.scatter [tilespmem:s16], [sflag:$0x1], $0x4000, $0x38;
	[tilespmem:$0x1D000] =	vst v63  }
0x2e: {  	_ =	swait.ge [sflag:s14], $0x4000  }
0x2f: {  	[sflag:s14] =	ssyncset.done $0x0  }
0x30: {  	[sflag:s14] =	ssyncadd.s32 $0xFFFFC000  }
0x31: {  	[spmem:s9] =	stream.linear.scatter [tilespmem:s16], [sflag:$0x1], $0x4000, $0x38;
	[tilespmem:$0x1D000] =	vst v63  }
0x32: {  	_ =	swait.ge [sflag:s14], $0x4000  }
0x33: {  	[sflag:s14] =	ssyncset.done $0x0  }
0x34: {  	[sflag:s14] =	ssyncadd.s32 $0xFFFFC000  }
0x35: {  	[spmem:s10] =	stream.linear.scatter [tilespmem:s16], [sflag:$0x1], $0x4000, $0x38;
	[tilespmem:$0x1D000] =	vst v63  }
0x36: {  	_ =	swait.ge [sflag:s14], $0x4000  }
0x37: {  	[sflag:s14] =	ssyncset.done $0x0  }
0x38: {  	[sflag:s14] =	ssyncadd.s32 $0xFFFFC000  }
0x39: {  	[spmem:s11] =	stream.linear.scatter [tilespmem:s16], [sflag:$0x1], $0x4000, $0x38;
	[tilespmem:$0x1D000] =	vst v63  }
0x3a: {  	_ =	swait.ge [sflag:s14], $0x4000  }
0x3b: {  	[sflag:s14] =	ssyncset.done $0x0  }
0x3c: {  	[sflag:s14] =	ssyncadd.s32 $0xFFFFC000  }
0x3d: {  	s30 =	simm.s32 $0x0;
	[bflag:$0x0] =	sbarrier.arrive $0xFFFF  }
0x3e: {  	[tilespmem:s16], [sflag:$0x1] =	stream.indirect.gather [hbm4b:s4+s17], $0x80, s30, s17, $0xb8;
	[tilespmem:$0x1D000] =	vst v63  }
0x3f: {  	_ =	swait.ge [sflag:s14], $0x4000  }
0x40: {  	[sflag:s14] =	ssyncset.done $0x0  }
0x41: {  	s31 =	simm.s32 $0x2800;
	[sflag:s14] =	ssyncadd.s32 $0xFFFFC000  }
0x42: {  	[spmem:s1] =	stream.indirect.scatter.add.f32 [tilespmem:s16], [sflag:$0x1], $0x80, s31, s17, $0xb8;
	[tilespmem:$0x1D000] =	vst v63  }
0x43: {  	_ =	swait.ge [sflag:s14], $0x4000  }
0x44: {  	s21 =	simm.s32 $0x200;
	s22 =	simm.s32 $0x400;
	[sflag:s14] =	ssyncset.done $0x0  }
.LBB2_4:
0x45: {  	s23 =	sshra.s32 s21, $0x2  }
0x46: {  	[sflag:s14] =	ssyncadd.s32 $0xFFFFC000;
	s21 =	smov.u32 s22;
	s24 =	sadd.s32 $0x200, s22  }
0x47: {  	[tilespmem:s16], [sflag:$0x1] =	stream.indirect.gather [hbm4b:s4+s17], $0x80, s23, s17, $0xb8;
	[tilespmem:$0x1D000] =	vst v63  }
0x48: {  	p0 =	sne.s32 s22, $0x9C00;
	_ =	swait.ge [sflag:s14], $0x4000  }
.Ltmp1:
0x49: {  	[sflag:s14] =	ssyncset.done $0x0;
	(pc) =	sbr.rel @p0 .LBB2_4-.Ltmp1, $4  }
0x4a: {  	s22 =	sadd.s32 $0x2800, s23;
	[sflag:s14] =	ssyncadd.s32 $0xFFFFC000  }
0x4b: {  	[spmem:s1] =	stream.indirect.scatter.add.f32 [tilespmem:s16], [sflag:$0x1], $0x80, s22, s17, $0xb8;
	[tilespmem:$0x1D000] =	vst v63  }
0x4c: {  	_ =	swait.ge [sflag:s14], $0x4000  }
0x4d: {  	s22 =	smov.u32 s24;
	[sflag:s14] =	ssyncset.done $0x0  }
0x4e: {  	s21 =	sshra.s32 s21, $0x2;
	[sflag:s14] =	ssyncadd.s32 $0xFFFFC000  }
0x4f: {  	[tilespmem:s16], [sflag:$0x1] =	stream.indirect.gather [hbm4b:s4+s17], $0x80, s21, s17, $0xb8;
	[tilespmem:$0x1D000] =	vst v63  }
0x50: {  	_ =	swait.ge [sflag:s14], $0x4000  }
0x51: {  	[sflag:s14] =	ssyncset.done $0x0  }
0x52: {  	s21 =	sadd.s32 $0x2800, s21;
	[sflag:s14] =	ssyncadd.s32 $0xFFFFC000  }
0x53: {  	[spmem:s1] =	stream.indirect.scatter.add.f32 [tilespmem:s16], [sflag:$0x1], $0x80, s21, s17, $0xb8;
	[tilespmem:$0x1D000] =	vst v63  }
0x54: {  	_ =	swait.ge [sflag:s14], $0x4000  }
0x55: {  	s20 =	sadd.s32 $0x1, s20;
	[sflag:s14] =	ssyncset.done $0x0  }
0x56: {  	p0 =	sne.s32 s20, s13;
	[sflag:s14] =	ssyncadd.s32 $0xFFFFC000  }
.Ltmp2:
0x57: {  	[bflag:$0x0] =	sbarrier.arrive $0xFFFF;
	(pc) =	sbr.rel @p0 .LBB2_1-.Ltmp2, $4  }
0x58: {  	[hbm:s12], [sflag:s18] =	dma.local [spmem:s19], $0x2800  }
0x59: {  	_ =	swait.ge [sflag:s14], $0x2800  }
0x5a: {  	[sflag:s14] =	ssyncset.done $0x0  }
0x5b: {  	[sflag:s14] =	ssyncadd.s32 $0xFFFFD800  }
0x5c: {  	_ =	sfence.sel $0x180000  }
0x5d: {  	[bflag:$0x0] =	sbarrier.arrive $0xFFFF  }
0x5e: {  	p0 =	sne.s32 s2, $0x0;
	_ =	strace $0x9000004D  }
0x5f: {  	s0 =	sadd.s32 @!p0 $0x100000, s0;
	[bflag:$0x2] =	sbarrier.arrive $0xFFFF  }
0x60: {  	[sflag:s0] =	ssyncadd.tile.s32 @!p0 $0x1;
	_ =	shalt  }
.Lfunc_end2:
_tile_overlayer_lowered:
.L_overlay_start_2:
0x61: {  	(tag) =	ssettag $0x2  }
0x62: {  	s0 =	rddreg [dreg:$0x0];
	s2 =	stileid.u32  }
0x63: {  	s1 =	rddreg [dreg:$0x1];
	p0 =	sne.s32 s2, $0x0  }
0x64: {  	s3 =	rddreg [dreg:$0x2];
	[bflag:$0x3] =	sbarrier.arrive $0xFFFF;
	s2 =	simm.s32 @!p0 $0x1C01  }
0x65: {  	[timem:s3], [sflag:s2] =	dma.local @!p0 [hbm:s0], s1  }
0x66: {  	s0 =	simm.s32 @!p0 $0x1  }
0x67: {  	_ =	swait.ge @!p0 [sflag:s0], s1  }
0x68: {  	s1 =	ssub.s32 @!p0 $0x0, s1;
	[sflag:s0] =	ssyncset.done @!p0 $0x0  }
0x69: {  	[sflag:s0] =	ssyncadd.s32 @!p0 s1  }
0x6a: {  	[bflag:$0x3] =	sbarrier.arrive $0xFFFF  }
0x6b: {  	_ =	shalt  }

// kernel: kernel.8.cloned.1.call-start
scs
__scs_entry_jumppad:
0x0: {  	(pc) =	sbr.rel $0x88, $3  }
0x1: {  	(tag) =	ssettag $0x0;
	lr =	simm.s32 $0x1  }
0x2: {  	[smem:$0x3F99] =	sst lr;
	_ =	strace $0xD0000000  }
0x3: {  	_ = 	snop  }
0x4: {  	_ = 	snop  }
0x5: {  	_ = 	snop  }
0x6: {  	_ = 	snop  }
0x7: {  	_ = 	snop  }
__scs_overlays_trampoline_lowered:
0x8: {  	[smem:$0x3FA8] =	sst s0  }
0x9: {  	[smem:$0x3FA9] =	sst s1  }
0xa: {  	[smem:$0x3FAA] =	sst s2  }
0xb: {  	[smem:$0x3FAB] =	sst s3  }
0xc: {  	[smem:$0x3FAC] =	sst s4  }
0xd: {  	[smem:$0x3FAD] =	sst s5  }
0xe: {  	[smem:$0x3FAE] =	sst s6  }
0xf: {  	[smem:$0x3FAF] =	sst s7  }
0x10: {  	[smem:$0x3FB0] =	sst s8  }
0x11: {  	[smem:$0x3FB1] =	sst s9;
	s0 =	simm.s32 @!p0 $0x0  }
0x12: {  	s1 =	sld [smem:$0x3F97];
	s0 =	simm.s32 @p0 $0x1  }
0x13: {  	[smem:$0x3FB2] =	sst s0;
	s0 =	simm.s32 @!p1 $0x0  }
0x14: {  	s2 =	sld [smem:$0x3F96];
	s0 =	simm.s32 @p1 $0x1  }
0x15: {  	[smem:$0x3FB3] =	sst s0;
	s0 =	simm.s32 @!p2 $0x0  }
0x16: {  	s3 =	sld [smem:$0x3FDB];
	s0 =	simm.s32 @p2 $0x1  }
0x17: {  	s4 =	simm.s32 $0x1BF5;
	[smem:$0x3FB5] =	sst s0  }
0x18: {  	s0 =	sld [smem:$0x3F98];
	_ =	swait.ge [sflag:s4], $0x0  }
0x19: {  	s7 =	sld [smem:$0x3F99]  }
0x1a: {  	s8 =	sadd.s32 $0xFFFFE003, lr  }
0x1b: {  	s9 =	sadd.s32 $0xFFFFFEF7, lr;
	s5 =	simm.s32 $0xFFFFFFFF;
	p2 =	slt.u32 s8, $0xFFFFF086  }
0x1c: {  	p1 =	slt.u32 s9, $0xF7A;
	s5 =	simm.s32 @!p2 $0x0  }
0x1d: {  	s5 =	simm.s32 @p1 $0x1;
	p0 =	seq.s32 s7, s2  }
0x1e: {  	s7 =	smul.u32 @!p0 $0xF7A, s2;
	p2 =	seq.s32 @!p0 s5, $0x0  }
0x1f: {  	s9 =	smul.u32 $0xF7A, s1;
	s8 =	simm.s32 @!p0 $0x1BF5;
	p2 =	por !p2, p0  }
0x20: {  	[sflag:s8] =	ssyncset.s32 @!p0 $0xFFFFF086;
	s6 =	sadd.s32 @!p0 s3, s7;
	s7 =	simm.s32 @!p0 $0x108  }
0x21: {  	s3 =	sadd.s32 s3, s9;
	s6 =	sadd.s32 @!p0 $0x88, s6;
	s7 =	simm.s32 @p2 $0x1082  }
0x22: {  	[simem:s7], [sflag:s8] =	dma.local @!p0 [hbm:s6], $0xF7A  }
0x23: {  	s9 =	sor.u32 $0xD0000000, s2;
	s6 =	simm.s32 $0x108;
	_ =	swait.ge @!p0 [sflag:s8], $0x0  }
0x24: {  	s3 =	sadd.s32 $0x88, s3;
	s6 =	simm.s32 @!p1 $0x1082;
	[sflag:s4] =	ssyncset.s32 $0xFFFFF086  }
0x25: {  	[simem:s6], [sflag:s4] =	dma.local [hbm:s3], $0xF7A  }
0x26: {  	[smem:$0x3F99] =	sst s1;
	(tag) =	ssettag s2;
	_ =	strace s9  }
0x27: {  	s1 =	sld [smem:$0x3FA9]  }
0x28: {  	s2 =	sld [smem:$0x3FAA]  }
0x29: {  	s4 =	sld [smem:$0x3FAC]  }
0x2a: {  	p0 =	seq.s32 s5, $0x0;
	s5 =	sld [smem:$0x3FAD]  }
0x2b: {  	s6 =	sld [smem:$0x3FAE]  }
0x2c: {  	s7 =	sld [smem:$0x3FAF]  }
0x2d: {  	s3 =	simm.s32 $0x108;
	s8 =	sld [smem:$0x3FB0]  }
0x2e: {  	s3 =	simm.s32 @!p0 $0x1082;
	s9 =	sld [smem:$0x3FB1]  }
0x2f: {  	lr =	sadd.s32 s0, s3;
	s0 =	sld [smem:$0x3FA8]  }
0x30: {  	s3 =	sld [smem:$0x3FAB]  }
0x31: {  	[smem:$0x3FB4] =	sst s10  }
0x32: {  	s10 =	sld [smem:$0x3FB2];
	_ =	sdelay $0x3  }
0x33: {  	p0 =	seq.s32 s10, $0x1;
	s10 =	sld [smem:$0x3FB4];
	_ =	sdelay $0x3  }
0x34: {  	[smem:$0x3FB4] =	sst s10  }
0x35: {  	s10 =	sld [smem:$0x3FB3];
	_ =	sdelay $0x3  }
0x36: {  	p1 =	seq.s32 s10, $0x1;
	s10 =	sld [smem:$0x3FB4];
	_ =	sdelay $0x3  }
0x37: {  	[smem:$0x3FB4] =	sst s10  }
0x38: {  	s10 =	sld [smem:$0x3FB5]  }
0x39: {  	_ = 	snop;
	(pc) =	sbr.ind lr, $3  }
0x3a: {  	_ = 	snop  }
0x3b: {  	_ = 	snop  }
0x3c: {  	p2 =	seq.s32 s10, $0x1;
	s10 =	sld [smem:$0x3FB4]  }
0x3d: {  	_ =	shalt  }
0x3e: {  	_ =	shalt  }
0x3f: {  	_ =	shalt  }
0x40: {  	_ =	shalt  }
0x41: {  	_ =	shalt  }
0x42: {  	_ =	shalt  }
0x43: {  	_ =	shalt  }
0x44: {  	_ =	shalt  }
0x45: {  	_ =	shalt  }
0x46: {  	_ =	shalt  }
0x47: {  	_ =	shalt  }
0x48: {  	_ =	shalt  }
0x49: {  	_ =	shalt  }
0x4a: {  	_ =	shalt  }
0x4b: {  	_ =	shalt  }
0x4c: {  	_ =	shalt  }
0x4d: {  	_ =	shalt  }
0x4e: {  	_ =	shalt  }
0x4f: {  	_ =	shalt  }
0x50: {  	_ =	shalt  }
0x51: {  	_ =	shalt  }
0x52: {  	_ =	shalt  }
0x53: {  	_ =	shalt  }
0x54: {  	_ =	shalt  }
0x55: {  	_ =	shalt  }
0x56: {  	_ =	shalt  }
0x57: {  	_ =	shalt  }
0x58: {  	_ =	shalt  }
0x59: {  	_ =	shalt  }
0x5a: {  	_ =	shalt  }
0x5b: {  	_ =	shalt  }
0x5c: {  	_ =	shalt  }
0x5d: {  	_ =	shalt  }
0x5e: {  	_ =	shalt  }
0x5f: {  	_ =	shalt  }
0x60: {  	_ =	shalt  }
0x61: {  	_ =	shalt  }
0x62: {  	_ =	shalt  }
0x63: {  	_ =	shalt  }
0x64: {  	_ =	shalt  }
0x65: {  	_ =	shalt  }
0x66: {  	_ =	shalt  }
0x67: {  	_ =	shalt  }
0x68: {  	_ =	shalt  }
0x69: {  	_ =	shalt  }
0x6a: {  	_ =	shalt  }
0x6b: {  	_ =	shalt  }
0x6c: {  	_ =	shalt  }
0x6d: {  	_ =	shalt  }
0x6e: {  	_ =	shalt  }
0x6f: {  	_ =	shalt  }
0x70: {  	_ =	shalt  }
0x71: {  	_ =	shalt  }
0x72: {  	_ =	shalt  }
0x73: {  	_ =	shalt  }
0x74: {  	_ =	shalt  }
0x75: {  	_ =	shalt  }
0x76: {  	_ =	shalt  }
0x77: {  	_ =	shalt  }
0x78: {  	_ =	shalt  }
0x79: {  	_ =	shalt  }
0x7a: {  	_ =	shalt  }
0x7b: {  	_ =	shalt  }
0x7c: {  	_ =	shalt  }
0x7d: {  	_ =	shalt  }
0x7e: {  	_ =	shalt  }
0x7f: {  	_ =	shalt  }
0x80: {  	_ =	shalt  }
0x81: {  	_ =	shalt  }
0x82: {  	_ =	shalt  }
0x83: {  	_ =	shalt  }
0x84: {  	_ =	shalt  }
0x85: {  	_ =	shalt  }
0x86: {  	_ =	shalt  }
0x87: {  	_ =	shalt  }
.Lfunc_end0:
.L_simem_size_0:
called_computation_lowered:
.L_overlay_start_0:
0x88: {  	s2 =	sld [smem:$0x3FD9]  }
0x89: {  	s3 =	sld [smem:$0x3FFE];
	_ =	sdelay $0x1  }
0x8a: {  	s1 =	srdreg.scid  }
0x8b: {  	s0 =	sand.u32 $0x1, s1  }
0x8c: {  	s17 =	sshll.u32 s0, $0xA;
	s2 =	sadd.s32 s3, s2  }
0x8d: {  	s2 =	sadd.s32 s2, s17  }
0x8e: {  	[smem:$0x3FC0] =	sst s2  }
0x8f: {  	_ = 	snop  }
0x90: {  	s2 =	sld [smem:$0x3FD0];
	(tm) =	ssettm $0x1  }
0x91: {  	s18 =	sld [smem:$0x3FFB];
	_ =	sdelay $0x3  }
0x92: {  	_ =	strace s18  }
0x93: {  	s3 =	sld [smem:$0x3FFC];
	_ =	sdelay $0x3  }
0x94: {  	_ =	strace s3  }
0x95: {  	s3 =	sld [smem:$0x3FFD];
	_ =	sdelay $0x3  }
0x96: {  	_ =	strace s3  }
0x97: {  	_ =	strace $0x8FFFFFFF  }
0x98: {  	s19 =	sld [smem:$0x3FDB];
	_ =	sdelay $0x1  }
0x99: {  	s4 =	simm.s32 $_scs_section_size  }
0x9a: {  	s5 =	simm.s32 $_size__tile_overlayer_lowered;
	s6 =	simm.s32 $_tile_overlayer_lowered  }
0x9b: {  	s22 =	simm.s32 $0x1BFF;
	s21 =	sshll.u32 s6, $0x1;
	s3 =	sadd.s32 s4, s19  }
0x9c: {  	s7 =	simm.s32 $0x0;
	s20 =	sshll.u32 s5, $0x1;
	s5 =	sadd.s32 s21, s3  }
0x9d: {  	[timem:s7], [sflag:s22] =	dma.local [hbm:s5], s20  }
0x9e: {  	_ =	swait.ge [sflag:s22], s20  }
0x9f: {  	s4 =	ssub.s32 $0x0, s20;
	[sflag:s22] =	ssyncset.done $0x0  }
0xa0: {  	[sflag:s22] =	ssyncadd.s32 s4;
	_ =	sdelay $0x1  }
0xa1: {  	s23 =	simm.s32 $0x1B8B  }
0xa2: {  	_ =	swait.ge [sflag:s23], $0x1  }
0xa3: {  	[sflag:s23] =	ssyncset.done $0x0  }
0xa4: {  	s25 =	simm.s32 $0x1B8E;
	s24 =	sld [smem:$0x3FFE];
	[sflag:s23] =	ssyncadd.s32 $0xFFFFFFFF  }
0xa5: {  	s26 =	simm.s32 $execute0_lowered;
	[smem:$0x3FD2] =	sst s25  }
0xa6: {  	s5 =	sshll.u32 s26, $0x1;
	_ =	strace $0x80000046;
	[dreg:$0x1] =	wrdreg $0xFFFFFFFF  }
0xa7: {  	s28 =	simm.s32 $_size_execute0_lowered;
	s3 =	sadd.s32 s3, s5;
	[dreg:$0x0] =	wrdreg $0x0  }
0xa8: {  	s5 =	sshll.u32 s28, $0x1;
	[dreg:$0x2] =	wrdreg s3  }
0xa9: {  	[dreg:$0x3] =	wrdreg s5  }
0xaa: {  	[dreg:$0x4] =	wrdreg $0xC0  }
0xab: {  	_ =	task [dreg:s7], $0x5FFFF  }
0xac: {  	[dreg:$0x1] =	wrdreg $0xFFFFFFFF  }
0xad: {  	[dreg:$0x0] =	wrdreg $0x60  }
0xae: {  	[dreg:$0x2] =	wrdreg s2  }
0xaf: {  	[dreg:$0x3] =	wrdreg s24  }
0xb0: {  	[dreg:$0x4] =	wrdreg $0x2B000  }
0xb1: {  	[dreg:$0x5] =	wrdreg $0x9  }
0xb2: {  	_ =	task.clear_ibuf [dreg:s7], $0x6FFFF;
	_ =	strace $0x90000046  }
0xb3: {  	s29 =	simm.s32 $0x9;
	_ =	strace $0x80000048  }
0xb4: {  	_ =	swait.ge [sflag:s29], $0x1  }
0xb5: {  	[sflag:s29] =	ssyncadd.s32 $0xFFFFFFFF  }
0xb6: {  	_ =	strace $0x90000048  }
0xb7: {  	_ =	sfence  }
0xb8: {  	s30 =	sld [smem:$0x0];
	_ =	sdelay $0x2  }
0xb9: {  	s31 =	sshll.u32 s1, $0xD;
	s1 =	sshrl.u32 s1, $0x2  }
0xba: {  	s3 =	sand.u32 $0x4000, s31;
	s1 =	sadd.s32 s1, s30  }
0xbb: {  	s0 =	sor.u32 s3, s0;
	s1 =	sshll.u32 s1, $0x11  }
0xbc: {  	s0 =	sor.u32 s1, s0  }
0xbd: {  	s0 =	sadd.s32 $0x8F2B, s0  }
0xbe: {  	[sflag:s0] =	ssyncadd.remote.s32 $0x1  }
0xbf: {  	_ =	sfence.sel $0xFFFF  }
0xc0: {  	[dreg:$0x0] =	wrdreg $0xFFFFFFFF;
	(pc) =	sbr.abs _section_cstart, $3  }
0xc1: {  	[dreg:$0x1] =	wrdreg $0xFFFFFFFF  }
0xc2: {  	_ =	task.clear_ibuf [dreg:s7], $0x2FFFF;
	_ =	strace $0x9FFFFFFF  }
0xc3: {  	(tm) =	ssettm $0x7FFFFFFF  }
tec
execute0_lowered:
.L_overlay_start_1:
0x0: {  	(tag) =	ssettag $0x1  }
0x1: {  	s4 =	rddreg [dreg:$0x0]  }
0x2: {  	s5 =	rddreg [dreg:$0x1]  }
0x3: {  	s2 =	rddreg [dreg:$0x2]  }
0x4: {  	s0 =	rddreg [dreg:$0x3]  }
0x5: {  	s3 =	simm.s32 $0x0;
	s6 =	srdreg.scid;
	s1 =	stileid.u32  }
0x6: {  	s11 =	simm.s32 $0x2800;
	s14 =	simm.s32 $0x20;
	s15 =	simm.s32 $0x10  }
0x7: {  	s16 =	simm.s32 $0x0;
	[smem:$0x7FF] =	sst s3;
	s7 =	smul.u32 $0x500, s1  }
0x8: {  	s6 =	sand.u32 $0x1, s6;
	s30 =	smul.u32 $0xA00, s1;
	s12 =	sshll.u32 s1, $0x6  }
0x9: {  	_ =	strace $0x80000047;
	s8 =	sshll.u32 s6, $0x7;
	s9 =	sshll.u32 s6, $0x4  }
0xa: {  	s6 =	ssub.s32 $0x2, s6;
	s12 =	sor.u32 $0x1C01, s12;
	s7 =	sor.u32 s8, s7  }
0xb: {  	s29 =	sor.u32 s1, s9;
	s31 =	sshrl.u32 s6, $0x1;
	s9 =	sshrl.u32 s30, $0x2  }
0xc: {  	s7 =	sshrl.u32 s7, $0x3;
	s8 =	smul.u32 $0x500, s29;
	s10 =	ssub.s32 s6, s31  }
0xd: {  	s7 =	sadd.s32 s7, s5;
	s5 =	sadd.s32 s9, s2;
	s9 =	simm.s32 $0x2880  }
0xe: {  	s4 =	sadd.s32 s4, s8;
	s6 =	sadd.s32 $0x2800, s7;
	s7 =	smax.u32 s10, $0x1  }
0xf: {  	v0 =	vimm.f32 $1.000000000e+00;
	v1 =	vimm.f32 $0.0e+00;
	s8 =	simm.s32 $0x1;
	s10 =	simm.s32 $0x80;
	s13 =	sshrl.u32 s5, $0x3  }
.LBB2_1:
0x10: {  	[tilespmem:s3], [sflag:$0x1] =	stream.linear.gather [hbm4b:s4+s3], $0x2780, $0x38;
	[tilespmem:$0x2D80] =	vst v63  }
0x11: {  	_ =	swait.ge [sflag:s8], $0x2780  }
0x12: {  	[sflag:s8] =	ssyncset.done $0x0  }
0x13: {  	[sflag:s8] =	ssyncadd.s32 $0xFFFFD880  }
0x14: {  	[tilespmem:$0x2800] =	vst v0  }
0x15: {  	[tilespmem:$0x2880] =	vst v1  }
0x16: {  	[tilespmem:$0x2810] =	vst v0  }
0x17: {  	[tilespmem:$0x2890] =	vst v1  }
0x18: {  	[tilespmem:$0x2820] =	vst v0  }
0x19: {  	[tilespmem:$0x28A0] =	vst v1  }
0x1a: {  	[tilespmem:$0x2830] =	vst v0  }
0x1b: {  	[tilespmem:$0x28B0] =	vst v1  }
0x1c: {  	[tilespmem:$0x2840] =	vst v0  }
0x1d: {  	[tilespmem:$0x28C0] =	vst v1  }
0x1e: {  	[tilespmem:$0x2850] =	vst v0  }
0x1f: {  	[tilespmem:$0x28D0] =	vst v1  }
0x20: {  	[tilespmem:$0x2860] =	vst v0  }
0x21: {  	[tilespmem:$0x28E0] =	vst v1  }
0x22: {  	[tilespmem:$0x2870] =	vst v0  }
0x23: {  	[tilespmem:$0x28F0] =	vst v1  }
0x24: {  	[tilespmem:$0x2900] =	vst v1  }
0x25: {  	[tilespmem:$0x2910] =	vst v1  }
0x26: {  	[tilespmem:$0x2920] =	vst v1  }
0x27: {  	[tilespmem:$0x2930] =	vst v1  }
0x28: {  	[tilespmem:$0x2940] =	vst v1  }
0x29: {  	[tilespmem:$0x2950] =	vst v1  }
0x2a: {  	[tilespmem:$0x2960] =	vst v1  }
0x2b: {  	[tilespmem:$0x2970] =	vst v1  }
0x2c: {  	[tilespmem:$0x2980] =	vst v1  }
0x2d: {  	[tilespmem:$0x2990] =	vst v1  }
0x2e: {  	[tilespmem:$0x29A0] =	vst v1  }
0x2f: {  	[tilespmem:$0x29B0] =	vst v1  }
0x30: {  	[tilespmem:$0x29C0] =	vst v1  }
0x31: {  	[tilespmem:$0x29D0] =	vst v1  }
0x32: {  	[tilespmem:$0x29E0] =	vst v1  }
0x33: {  	[tilespmem:$0x29F0] =	vst v1  }
0x34: {  	[tilespmem:$0x2A00] =	vst v1  }
0x35: {  	[tilespmem:$0x2A10] =	vst v1  }
0x36: {  	[tilespmem:$0x2A20] =	vst v1  }
0x37: {  	[tilespmem:$0x2A30] =	vst v1  }
0x38: {  	[tilespmem:$0x2A40] =	vst v1  }
0x39: {  	[tilespmem:$0x2A50] =	vst v1  }
0x3a: {  	[tilespmem:$0x2A60] =	vst v1  }
0x3b: {  	[tilespmem:$0x2A70] =	vst v1  }
0x3c: {  	[tilespmem:$0x2A80] =	vst v1  }
0x3d: {  	[tilespmem:$0x2A90] =	vst v1  }
0x3e: {  	[tilespmem:$0x2AA0] =	vst v1  }
0x3f: {  	[tilespmem:$0x2AB0] =	vst v1  }
0x40: {  	[tilespmem:$0x2AC0] =	vst v1  }
0x41: {  	[tilespmem:$0x2AD0] =	vst v1  }
0x42: {  	[tilespmem:$0x2AE0] =	vst v1  }
0x43: {  	[tilespmem:$0x2AF0] =	vst v1  }
0x44: {  	[spmem:s5] =	stream.linear.scatter [tilespmem:s9], [sflag:$0x1], $0x280, $0x38;
	[tilespmem:$0x2D80] =	vst v63  }
0x45: {  	_ =	swait.ge [sflag:s8], $0x280  }
0x46: {  	[sflag:s8] =	ssyncset.done $0x0  }
0x47: {  	[sflag:s8] =	ssyncadd.s32 $0xFFFFFD80  }
0x48: {  	s17 =	simm.s32 $0x0;
	[bflag:$0x0] =	sbarrier.arrive $0xFFFF  }
0x49: {  	[spmem:s2] =	stream.indirect.scatter.add.f32 [tilespmem:s11], [sflag:$0x1], $0x1, s17, s10, $0xb8;
	[tilespmem:$0x2D80] =	vst v63  }
0x4a: {  	_ =	swait.ge [sflag:s8], $0x80  }
0x4b: {  	s17 =	simm.s32 $0x200;
	[sflag:s8] =	ssyncset.done $0x0  }
.LBB2_2:
0x4c: {  	s18 =	sshra.s32 s17, $0x2;
	[sflag:s8] =	ssyncadd.s32 $0xFFFFFF80;
	p0 =	sne.s32 s17, $0x9C00  }
0x4d: {  	[spmem:s2] =	stream.indirect.scatter.add.f32 [tilespmem:s11], [sflag:$0x1], $0x1, s18, s10, $0xb8;
	[tilespmem:$0x2D80] =	vst v63  }
.Ltmp0:
0x4e: {  	_ = 	snop;
	(pc) =	sbr.rel @p0 .LBB2_2-.Ltmp0, $4  }
0x4f: {  	_ = 	snop  }
0x50: {  	s17 =	sadd.s32 $0x200, s17  }
0x51: {  	_ =	swait.ge [sflag:s8], $0x80  }
0x52: {  	[sflag:s8] =	ssyncset.done $0x0  }
0x53: {  	s16 =	sadd.s32 $0x1, s16  }
0x54: {  	[sflag:s8] =	ssyncadd.s32 $0xFFFFFF80;
	p0 =	sne.s32 s16, s7  }
.Ltmp1:
0x55: {  	[bflag:$0x0] =	sbarrier.arrive $0xFFFF;
	(pc) =	sbr.rel @p0 .LBB2_1-.Ltmp1, $4  }
0x56: {  	[hbm:s6@s14], [sflag:s12] =	dma.strided [spmem:s13@s15], $0x50, s8, $0x10   }
0x57: {  	_ =	swait.ge [sflag:s8], $0x50  }
0x58: {  	[sflag:s8] =	ssyncset.done $0x0  }
0x59: {  	[sflag:s8] =	ssyncadd.s32 $0xFFFFFFB0  }
0x5a: {  	_ =	sfence.sel $0x180000  }
0x5b: {  	[bflag:$0x0] =	sbarrier.arrive $0xFFFF  }
0x5c: {  	p0 =	sne.s32 s1, $0x0;
	_ =	strace $0x90000047  }
0x5d: {  	s0 =	sadd.s32 @!p0 $0x100000, s0;
	[bflag:$0x2] =	sbarrier.arrive $0xFFFF  }
0x5e: {  	[sflag:s0] =	ssyncadd.tile.s32 @!p0 $0x1;
	_ =	shalt  }
.Lfunc_end2:
_tile_overlayer_lowered:
.L_overlay_start_2:
0x5f: {  	(tag) =	ssettag $0x2  }
0x60: {  	s0 =	rddreg [dreg:$0x0];
	s2 =	stileid.u32  }
0x61: {  	s1 =	rddreg [dreg:$0x1];
	p0 =	sne.s32 s2, $0x0  }
0x62: {  	s3 =	rddreg [dreg:$0x2];
	[bflag:$0x3] =	sbarrier.arrive $0xFFFF;
	s2 =	simm.s32 @!p0 $0x1C01  }
0x63: {  	[timem:s3], [sflag:s2] =	dma.local @!p0 [hbm:s0], s1  }
0x64: {  	s0 =	simm.s32 @!p0 $0x1  }
0x65: {  	_ =	swait.ge @!p0 [sflag:s0], s1  }
0x66: {  	s1 =	ssub.s32 @!p0 $0x0, s1;
	[sflag:s0] =	ssyncset.done @!p0 $0x0  }
0x67: {  	[sflag:s0] =	ssyncadd.s32 @!p0 s1  }
0x68: {  	[bflag:$0x3] =	sbarrier.arrive $0xFFFF  }
0x69: {  	_ =	shalt  }

</sc_bundles>
